<compile_context>
chip_gen: v7x
topology: tpu7x:2x2x1
jax: 0.10.2.dev20260603
libtpu: 0.0.44.dev20260713+nightly
codegen_flags: <defaults>
</compile_context>

<pallas_src>
import jax
import jax.numpy as jnp
import numpy as np
from jax import lax
from jax.experimental import pallas as pl
from jax.experimental.pallas import tpu as pltpu
from jax.experimental.pallas import tpu_sc as plsc

N = 16777216
K = 838861
NC, NS = 2, 16
NW = NC * NS
PER_W = N // NW
CHUNK = 32768
NCHUNK = PER_W // CHUNK
UNROLL = 8
VECS = CHUNK // 16
NBIN = 32768
ROWS = NBIN // 128

_SIGN = np.int32(-2147483648)
_NEG1 = np.int32(-1)


def _key32(x):
    xi = lax.bitcast_convert_type(x, jnp.int32)
    return xi ^ jnp.where(xi < 0, _NEG1, _SIGN)


def _pass1_body(pnl, zeros, hist_out, hist_v, buf0, buf1, sem0, sem1):
    wid = lax.axis_index("s") * NC + lax.axis_index("c")
    base = wid * PER_W
    pltpu.sync_copy(zeros, hist_v)
    bufs = (buf0, buf1)
    sems = (sem0, sem1)
    ones = jnp.ones((16,), jnp.int32)

    def copy(c, b):
        return pltpu.make_async_copy(
            pnl.at[pl.ds(base + c * CHUNK, CHUNK)], bufs[b], sems[b])

    copy(0, 0).start()

    def process(buf, carry):
        def ibody(i):
            x = buf[pl.ds(i * 16, 16)]
            hi = lax.shift_right_logical(_key32(x), jnp.int32(17))
            plsc.addupdate_scatter(hist_v, [hi], ones)
        plsc.parallel_loop(0, VECS, unroll=UNROLL)(ibody)
        return carry

    def outer(g, carry):
        for b in range(2):
            c = g * 2 + b
            @pl.when(c + 1 < NCHUNK)
            def _():
                copy(c + 1, 1 - b).start()
            copy(c, b).wait()
            carry = process(bufs[b], carry)
        return carry

    lax.fori_loop(0, NCHUNK // 2, outer, jnp.int32(0))
    pltpu.sync_copy(hist_v, hist_out.at[pl.ds(wid * NBIN, NBIN)])


def _pass2_body(pnl, par, zeros, hist_out, sv_out,
                hist_v, buf0, buf1, bvec_v, accv, sem0, sem1):
    wid = lax.axis_index("s") * NC + lax.axis_index("c")
    base = wid * PER_W
    pltpu.sync_copy(zeros, hist_v)
    pltpu.sync_copy(par.at[0], bvec_v)
    bv = bvec_v[...]
    bufs = (buf0, buf1)
    sems = (sem0, sem1)
    ones = jnp.ones((16,), jnp.int32)
    fzero = jnp.zeros((16,), jnp.float32)

    def copy(c, b):
        return pltpu.make_async_copy(
            pnl.at[pl.ds(base + c * CHUNK, CHUNK)], bufs[b], sems[b])

    copy(0, 0).start()

    def process(buf, acc):
        def ibody(i, acc):
            x = buf[pl.ds(i * 16, 16)]
            key = _key32(x)
            hi = lax.shift_right_logical(key, jnp.int32(17))
            lo = jnp.bitwise_and(lax.shift_right_logical(key, jnp.int32(2)),
                                 jnp.int32(0x7FFF))
            acc = acc + jnp.where(hi < bv, x, fzero)
            plsc.addupdate_scatter(hist_v, [lo], ones, mask=hi == bv)
            return acc
        return plsc.parallel_loop(0, VECS, unroll=UNROLL, carry=acc)(ibody)

    def outer(g, acc):
        for b in range(2):
            c = g * 2 + b
            @pl.when(c + 1 < NCHUNK)
            def _():
                copy(c + 1, 1 - b).start()
            copy(c, b).wait()
            acc = process(bufs[b], acc)
        return acc

    acc = lax.fori_loop(0, NCHUNK // 2, outer, fzero)
    accv[...] = acc
    pltpu.sync_copy(accv, sv_out.at[wid])
    pltpu.sync_copy(hist_v, hist_out.at[pl.ds(wid * NBIN, NBIN)])


def _cumlt(C):
    rs = jnp.sum(C, axis=1, keepdims=True)
    ii = lax.broadcasted_iota(jnp.int32, (ROWS, ROWS), 0)
    jj = lax.broadcasted_iota(jnp.int32, (ROWS, ROWS), 1)
    lower = (jj < ii).astype(jnp.float32)
    carry = lax.dot(lower, rs, precision=lax.Precision.HIGHEST,
                    preferred_element_type=jnp.float32)
    mm = lax.broadcasted_iota(jnp.int32, (128, 128), 0)
    ll = lax.broadcasted_iota(jnp.int32, (128, 128), 1)
    upper = (mm < ll).astype(jnp.float32)
    within = lax.dot(C, upper, precision=lax.Precision.HIGHEST,
                     preferred_element_type=jnp.float32)
    return carry + within


def _tile_sum(h):
    C = h[0:ROWS]
    for t in range(1, NW):
        C = C + h[t * ROWS:(t + 1) * ROWS]
    return C


def _flat_idx():
    return (lax.broadcasted_iota(jnp.int32, (ROWS, 128), 0) * 128
            + lax.broadcasted_iota(jnp.int32, (ROWS, 128), 1))


def _merge1_body(hist_ref, out_ref):
    C = _tile_sum(hist_ref[...].astype(jnp.float32))
    cumlt = _cumlt(C)
    cum = cumlt + C
    kf = jnp.float32(K)
    mx = (cumlt < kf) & (kf <= cum)
    flat = _flat_idx()
    b_bin = jnp.sum(jnp.where(mx, flat, 0))
    c_below = jnp.sum(jnp.where(mx, cumlt, 0.0)).astype(jnp.int32)
    rows = lax.broadcasted_iota(jnp.int32, (4, 16), 0)
    out_ref[...] = jnp.where(rows == 0, b_bin, c_below)


def _merge2_body(hist_ref, sv_ref, par_ref, out_ref):
    C2 = _tile_sum(hist_ref[...].astype(jnp.float32))
    cumlt2 = _cumlt(C2)
    cum2 = cumlt2 + C2
    par = par_ref[...]
    b_bin = jnp.sum(par[0:1, 0:1])
    c_below = jnp.sum(par[1:2, 0:1]).astype(jnp.float32)
    r = jnp.float32(K) - c_below
    flat = _flat_idx()
    key = jnp.bitwise_or(lax.shift_left(b_bin, jnp.int32(17)),
                         lax.shift_left(flat, jnp.int32(2)))
    u = jnp.where(key < 0, jnp.bitwise_and(key, jnp.int32(0x7FFFFFFF)),
                  jnp.bitwise_not(key))
    v = lax.bitcast_convert_type(u, jnp.float32)
    mx = (cumlt2 < r) & (r <= cum2)
    b2 = jnp.sum(jnp.where(mx, flat, 0))
    c_at = jnp.sum(jnp.where(mx, cumlt2, 0.0))
    v_thr = jnp.sum(jnp.where(mx, v, 0.0))
    s_in_bin = jnp.sum(jnp.where(flat < b2, C2 * v, 0.0))
    s_below = jnp.sum(sv_ref[...])
    total = s_below + s_in_bin + (r - c_at) * v_thr
    es = -(total / jnp.float32(K))
    out_ref[...] = jnp.broadcast_to(es, (1, 1))


_mesh = plsc.VectorSubcoreMesh(core_axis_name="c", subcore_axis_name="s")

_sc_params = pltpu.CompilerParams(needs_layout_passes=False)

_pass1 = pl.kernel(
    _pass1_body,
    out_type=jax.ShapeDtypeStruct((NW * NBIN,), jnp.int32),
    mesh=_mesh,
    compiler_params=_sc_params,
    scratch_types=[
        pltpu.VMEM((NBIN,), jnp.int32),
        pltpu.VMEM((CHUNK,), jnp.float32),
        pltpu.VMEM((CHUNK,), jnp.float32),
        pltpu.SemaphoreType.DMA,
        pltpu.SemaphoreType.DMA,
    ],
)

_pass2 = pl.kernel(
    _pass2_body,
    out_type=(
        jax.ShapeDtypeStruct((NW * NBIN,), jnp.int32),
        jax.ShapeDtypeStruct((NW, 16), jnp.float32),
    ),
    mesh=_mesh,
    compiler_params=_sc_params,
    scratch_types=[
        pltpu.VMEM((NBIN,), jnp.int32),
        pltpu.VMEM((CHUNK,), jnp.float32),
        pltpu.VMEM((CHUNK,), jnp.float32),
        pltpu.VMEM((16,), jnp.int32),
        pltpu.VMEM((16,), jnp.float32),
        pltpu.SemaphoreType.DMA,
        pltpu.SemaphoreType.DMA,
    ],
)

_merge1 = pl.pallas_call(
    _merge1_body,
    out_shape=jax.ShapeDtypeStruct((4, 16), jnp.int32),
)

_merge2 = pl.pallas_call(
    _merge2_body,
    out_shape=jax.ShapeDtypeStruct((1, 1), jnp.float32),
)


@jax.jit
def kernel(pnl):
    zeros = jnp.zeros((NBIN,), jnp.int32)
    hist1 = _pass1(pnl, zeros)
    par = _merge1(hist1.reshape(NW * ROWS, 128))
    hist2, sv = _pass2(pnl, par, zeros)
    out = _merge2(hist2.reshape(NW * ROWS, 128), sv, par)
    return out[0, 0]

# --- scband reference (transcript-rebuilt; emitter-appended) ---
"""Pipeline reference for scband-expected-shortfall-6322191859811 (READ-ONLY COPY).

The authoritative reference and input builder live on the scoring server;
editing this copy changes nothing except your own understanding.
"""

import math
import jax, jax.numpy as jnp
import numpy as np

QUANTILE = 0.05
N = 16777216

def setup_inputs(seed: int = 0) -> dict:
    key = jax.random.key(seed)
    pnl = jax.random.normal(key, (N,), dtype=jnp.float32)
    return {"pnl": pnl}

def reference(pnl):
    # torch: -pnl.topk(ceil(q * numel), largest=False).values.mean()
    k = math.ceil(QUANTILE * pnl.size)
    # smallest-k of pnl == -(largest-k of -pnl)
    neg_vals, _ = jax.lax.top_k(-pnl, k)
    smallest = -neg_vals
    return -jnp.mean(smallest)

if __name__ == "__main__":
    import jax
    _d = setup_inputs()
    print(jax.jit(kernel)(*tuple(_d.values())))

</pallas_src>

<mosaic_0001>
#map = affine_map<(d0, d1) -> (0)>
#map1 = affine_map<(d0, d1) -> (0, 0)>
module attributes {stable_mosaic.version = 14 : i64} {
  func.func @_pass2_body(%arg0: i32, %arg1: i32, %arg2: memref<16777216xf32, #tpu.memory_space<hbm>>, %arg3: memref<4x16xi32, #tpu.memory_space<hbm>>, %arg4: memref<32768xi32, #tpu.memory_space<hbm>>, %arg5: memref<1048576xi32, #tpu.memory_space<hbm>>, %arg6: memref<32x16xf32, #tpu.memory_space<hbm>>, %arg7: memref<32768xi32, #tpu.memory_space<vmem>>, %arg8: memref<32768xf32, #tpu.memory_space<vmem>>, %arg9: memref<32768xf32, #tpu.memory_space<vmem>>, %arg10: memref<16xi32, #tpu.memory_space<vmem>>, %arg11: memref<16xf32, #tpu.memory_space<vmem>>, %arg12: memref<!tpu.dma_semaphore, #tpu.memory_space<semaphore_mem>>, %arg13: memref<!tpu.dma_semaphore, #tpu.memory_space<semaphore_mem>>) attributes {dimension_semantics = [#tpu.dimension_semantics<core_parallel>, #tpu.dimension_semantics<subcore_parallel>], iteration_bounds = array<i64: 2, 16>, scalar_prefetch = 0 : i64, scratch_operands = 7 : i64, tpu.core_type = #tpu.core_type<sc_vector_subcore>, window_params = [{transform_indices = #map}, {transform_indices = #map1}, {transform_indices = #map}, {transform_indices = #map}, {transform_indices = #map1}]} {
    %mul3A = arith.constant 2 : i32
    %mul3A_0 = arith.muli %arg1, %mul3A : i32
    %add3A = arith.addi %mul3A_0, %arg0 : i32
    %mul3A_1 = arith.constant 524288 : i32
    %mul3A_2 = arith.muli %add3A, %mul3A_1 : i32
    "tpu.region"() ({
      %run_scoped3A_18 = tpu.sem_alloc : memref<!tpu.dma_semaphore, #tpu.memory_space<semaphore_mem>>
      tpu.enqueue_dma source(%arg4 : memref<32768xi32, #tpu.memory_space<hbm>>) target(%arg7 : memref<32768xi32, #tpu.memory_space<vmem>>) target_semaphore(%run_scoped3A_18 : memref<!tpu.dma_semaphore, #tpu.memory_space<semaphore_mem>>)
      tpu.wait_dma2 semaphore(%run_scoped3A_18 : memref<!tpu.dma_semaphore, #tpu.memory_space<semaphore_mem>>) src(%arg4 : memref<32768xi32, #tpu.memory_space<hbm>>) dst(%arg7 : memref<32768xi32, #tpu.memory_space<vmem>>)
      tpu.yield
    }) : () -> ()
    %run_scoped3A = arith.constant 0 : i32
    "tpu.region"() ({
      %run_scoped3A_18 = tpu.sem_alloc : memref<!tpu.dma_semaphore, #tpu.memory_space<semaphore_mem>>
      %dma_start3A_19 = arith.constant 0 : i32
      %dma_start3A_20 = tpu.memref_slice %arg3[%run_scoped3A, %dma_start3A_19] : memref<4x16xi32, #tpu.memory_space<hbm>> -> memref<1x16xi32, #tpu.memory_space<hbm>>
      %dma_start3A_21 = tpu.memref_squeeze %dma_start3A_20 : memref<1x16xi32, #tpu.memory_space<hbm>> -> memref<16xi32, #tpu.memory_space<hbm>>
      %dma_start3A_22 = arith.constant 0 : i32
      %dma_start3A_23 = tpu.memref_slice %arg3[%run_scoped3A, %dma_start3A_22] : memref<4x16xi32, #tpu.memory_space<hbm>> -> memref<1x16xi32, #tpu.memory_space<hbm>>
      %dma_start3A_24 = tpu.memref_squeeze %dma_start3A_23 : memref<1x16xi32, #tpu.memory_space<hbm>> -> memref<16xi32, #tpu.memory_space<hbm>>
      tpu.enqueue_dma source(%dma_start3A_24 : memref<16xi32, #tpu.memory_space<hbm>>) target(%arg10 : memref<16xi32, #tpu.memory_space<vmem>>) target_semaphore(%run_scoped3A_18 : memref<!tpu.dma_semaphore, #tpu.memory_space<semaphore_mem>>)
      %dma_wait3A = arith.constant 0 : i32
      %dma_wait3A_25 = tpu.memref_slice %arg3[%run_scoped3A, %dma_wait3A] : memref<4x16xi32, #tpu.memory_space<hbm>> -> memref<1x16xi32, #tpu.memory_space<hbm>>
      %dma_wait3A_26 = tpu.memref_squeeze %dma_wait3A_25 : memref<1x16xi32, #tpu.memory_space<hbm>> -> memref<16xi32, #tpu.memory_space<hbm>>
      %dma_wait3A_27 = arith.constant 0 : i32
      %dma_wait3A_28 = tpu.memref_slice %arg3[%run_scoped3A, %dma_wait3A_27] : memref<4x16xi32, #tpu.memory_space<hbm>> -> memref<1x16xi32, #tpu.memory_space<hbm>>
      %dma_wait3A_29 = tpu.memref_squeeze %dma_wait3A_28 : memref<1x16xi32, #tpu.memory_space<hbm>> -> memref<16xi32, #tpu.memory_space<hbm>>
      tpu.wait_dma2 semaphore(%run_scoped3A_18 : memref<!tpu.dma_semaphore, #tpu.memory_space<semaphore_mem>>) src(%dma_wait3A_29 : memref<16xi32, #tpu.memory_space<hbm>>) dst(%arg10 : memref<16xi32, #tpu.memory_space<vmem>>)
      tpu.yield
    }) : () -> ()
    %get3A = arith.constant 0 : index
    %get3A_3 = tpu.vector_load %arg10[%get3A] {strides = array<i32>} : memref<16xi32, #tpu.memory_space<vmem>>, vector<16xi32>,
    %broadcast_in_dim3A = arith.constant 1 : i32
    %broadcast_in_dim3A_4 = vector.broadcast %broadcast_in_dim3A : i32 to vector<16xi32>
    %broadcast_in_dim3A_5 = arith.constant 0.000000e+00 : f32
    %broadcast_in_dim3A_6 = vector.broadcast %broadcast_in_dim3A_5 : f32 to vector<16xf32>
    %add3A_7 = arith.constant 0 : i32
    %add3A_8 = arith.addi %mul3A_2, %add3A_7 : i32
    %dma_start3A = tpu.memref_slice %arg2[%add3A_8] : memref<16777216xf32, #tpu.memory_space<hbm>> -> memref<32768xf32, #tpu.memory_space<hbm>>
    %dma_start3A_9 = tpu.memref_slice %arg2[%add3A_8] : memref<16777216xf32, #tpu.memory_space<hbm>> -> memref<32768xf32, #tpu.memory_space<hbm>>
    tpu.enqueue_dma source(%dma_start3A_9 : memref<32768xf32, #tpu.memory_space<hbm>>) target(%arg8 : memref<32768xf32, #tpu.memory_space<vmem>>) target_semaphore(%arg12 : memref<!tpu.dma_semaphore, #tpu.memory_space<semaphore_mem>>)
    %scan3A = arith.constant 0 : i32
    %scan3A_10 = arith.constant 8 : i32
    %scan3A_11 = arith.addi %scan3A, %scan3A_10 : i32
    %scan3A_12 = arith.constant 1 : i32
    %scan3A_13 = scf.for %scan3A_18 = %scan3A to %scan3A_11 step %scan3A_12 iter_args(%scan3A_19 = %broadcast_in_dim3A_6) -> (vector<16xf32>)  : i32 {
      %mul3A_20 = arith.constant 2 : i32
      %mul3A_21 = arith.muli %scan3A_18, %mul3A_20 : i32
      %add3A_22 = arith.constant 0 : i32
      %add3A_23 = arith.addi %mul3A_21, %add3A_22 : i32
      %add3A_24 = arith.constant 1 : i32
      %add3A_25 = arith.addi %add3A_23, %add3A_24 : i32
      %lt3A = arith.constant 16 : i32
      %lt3A_26 = arith.cmpi slt, %add3A_25, %lt3A : i32
      %convert_element_type3A = arith.extui %lt3A_26 : i1 to i32
      %cond3A = arith.constant 0 : i32
      %cond3A_27 = arith.cmpi ne, %convert_element_type3A, %cond3A : i32
      scf.if %cond3A_27 {
        %add3A_55 = arith.constant 1 : i32
        %add3A_56 = arith.addi %add3A_23, %add3A_55 : i32
        %mul3A_57 = arith.constant 32768 : i32
        %mul3A_58 = arith.muli %add3A_56, %mul3A_57 : i32
        %add3A_59 = arith.addi %mul3A_2, %mul3A_58 : i32
        %dma_start3A_60 = tpu.memref_slice %arg2[%add3A_59] : memref<16777216xf32, #tpu.memory_space<hbm>> -> memref<32768xf32, #tpu.memory_space<hbm>>
        %dma_start3A_61 = tpu.memref_slice %arg2[%add3A_59] : memref<16777216xf32, #tpu.memory_space<hbm>> -> memref<32768xf32, #tpu.memory_space<hbm>>
        tpu.enqueue_dma source(%dma_start3A_61 : memref<32768xf32, #tpu.memory_space<hbm>>) target(%arg9 : memref<32768xf32, #tpu.memory_space<vmem>>) target_semaphore(%arg13 : memref<!tpu.dma_semaphore, #tpu.memory_space<semaphore_mem>>)
      } else {
      }
      %mul3A_28 = arith.constant 32768 : i32
      %mul3A_29 = arith.muli %add3A_23, %mul3A_28 : i32
      %add3A_30 = arith.addi %mul3A_2, %mul3A_29 : i32
      %dma_wait3A = tpu.memref_slice %arg2[%add3A_30] : memref<16777216xf32, #tpu.memory_space<hbm>> -> memref<32768xf32, #tpu.memory_space<hbm>>
      %dma_wait3A_31 = tpu.memref_slice %arg2[%add3A_30] : memref<16777216xf32, #tpu.memory_space<hbm>> -> memref<32768xf32, #tpu.memory_space<hbm>>
      tpu.wait_dma2 semaphore(%arg12 : memref<!tpu.dma_semaphore, #tpu.memory_space<semaphore_mem>>) src(%dma_wait3A_31 : memref<32768xf32, #tpu.memory_space<hbm>>) dst(%arg8 : memref<32768xf32, #tpu.memory_space<vmem>>)
      %parallel_loop3A = arith.constant 0 : i32
      %parallel_loop3A_32 = arith.constant 2048 : i32
      %parallel_loop3A_33 = arith.constant 1 : i32
      %parallel_loop3A_34 = scf.for %parallel_loop3A_55 = %parallel_loop3A to %parallel_loop3A_32 step %parallel_loop3A_33 iter_args(%parallel_loop3A_56 = %scan3A_19) -> (vector<16xf32>)  : i32 {
        %parallel_loop3A_57 = arith.constant 16 : i32
        %parallel_loop3A_58 = arith.muli %parallel_loop3A_55, %parallel_loop3A_57 : i32
        %parallel_loop3A_59 = arith.index_cast %parallel_loop3A_58 : i32 to index
        %parallel_loop3A_60 = tpu.vector_load %arg8[%parallel_loop3A_59] {strides = array<i32>} : memref<32768xf32, #tpu.memory_space<vmem>>, vector<16xf32>,
        %parallel_loop3A_61 = tpu.bitcast %parallel_loop3A_60 : vector<16xf32> -> vector<16xi32>
        %parallel_loop3A_62 = arith.constant 0 : i32
        %parallel_loop3A_63 = vector.broadcast %parallel_loop3A_62 : i32 to vector<16xi32>
        %parallel_loop3A_64 = arith.cmpi slt, %parallel_loop3A_61, %parallel_loop3A_63 : vector<16xi32>
        %parallel_loop3A_65 = arith.constant -1 : i32
        %parallel_loop3A_66 = arith.constant -2147483648 : i32
        %parallel_loop3A_67 = vector.broadcast %parallel_loop3A_65 : i32 to vector<16xi32>
        %parallel_loop3A_68 = vector.broadcast %parallel_loop3A_66 : i32 to vector<16xi32>
        %parallel_loop3A_69 = arith.select %parallel_loop3A_64, %parallel_loop3A_67, %parallel_loop3A_68 : vector<16xi1>, vector<16xi32>
        %parallel_loop3A_70 = arith.xori %parallel_loop3A_61, %parallel_loop3A_69 : vector<16xi32>
        %parallel_loop3A_71 = arith.constant 17 : i32
        %parallel_loop3A_72 = vector.broadcast %parallel_loop3A_71 : i32 to vector<16xi32>
        %parallel_loop3A_73 = arith.shrui %parallel_loop3A_70, %parallel_loop3A_72 : vector<16xi32>
        %parallel_loop3A_74 = arith.constant 2 : i32
        %parallel_loop3A_75 = vector.broadcast %parallel_loop3A_74 : i32 to vector<16xi32>
        %parallel_loop3A_76 = arith.shrui %parallel_loop3A_70, %parallel_loop3A_75 : vector<16xi32>
        %parallel_loop3A_77 = arith.constant 32767 : i32
        %parallel_loop3A_78 = vector.broadcast %parallel_loop3A_77 : i32 to vector<16xi32>
        %parallel_loop3A_79 = arith.andi %parallel_loop3A_76, %parallel_loop3A_78 : vector<16xi32>
        %parallel_loop3A_80 = arith.cmpi slt, %parallel_loop3A_73, %get3A_3 : vector<16xi32>
        %parallel_loop3A_81 = arith.select %parallel_loop3A_80, %parallel_loop3A_60, %broadcast_in_dim3A_6 : vector<16xi1>, vector<16xf32>
        %parallel_loop3A_82 = arith.addf %parallel_loop3A_56, %parallel_loop3A_81 : vector<16xf32>
        %parallel_loop3A_83 = arith.cmpi eq, %parallel_loop3A_73, %get3A_3 : vector<16xi32>
        tpu.vector_store_idx %arg7[%parallel_loop3A_79], %broadcast_in_dim3A_4 masked %parallel_loop3A_83 {add = true} : memref<32768xi32, #tpu.memory_space<vmem>>[vector<16xi32>], vector<16xi32>, vector<16xi1>
        scf.yield %parallel_loop3A_82 : vector<16xf32>
      } {sc.loop_unroll_factor = 8 : i64, sc.parallel_access}
      %mul3A_35 = arith.constant 2 : i32
      %mul3A_36 = arith.muli %scan3A_18, %mul3A_35 : i32
      %add3A_37 = arith.constant 1 : i32
      %add3A_38 = arith.addi %mul3A_36, %add3A_37 : i32
      %add3A_39 = arith.constant 1 : i32
      %add3A_40 = arith.addi %add3A_38, %add3A_39 : i32
      %lt3A_41 = arith.constant 16 : i32
      %lt3A_42 = arith.cmpi slt, %add3A_40, %lt3A_41 : i32
      %convert_element_type3A_43 = arith.extui %lt3A_42 : i1 to i32
      %cond3A_44 = arith.constant 0 : i32
      %cond3A_45 = arith.cmpi ne, %convert_element_type3A_43, %cond3A_44 : i32
      scf.if %cond3A_45 {
        %add3A_55 = arith.constant 1 : i32
        %add3A_56 = arith.addi %add3A_38, %add3A_55 : i32
        %mul3A_57 = arith.constant 32768 : i32
        %mul3A_58 = arith.muli %add3A_56, %mul3A_57 : i32
        %add3A_59 = arith.addi %mul3A_2, %mul3A_58 : i32
        %dma_start3A_60 = tpu.memref_slice %arg2[%add3A_59] : memref<16777216xf32, #tpu.memory_space<hbm>> -> memref<32768xf32, #tpu.memory_space<hbm>>
        %dma_start3A_61 = tpu.memref_slice %arg2[%add3A_59] : memref<16777216xf32, #tpu.memory_space<hbm>> -> memref<32768xf32, #tpu.memory_space<hbm>>
        tpu.enqueue_dma source(%dma_start3A_61 : memref<32768xf32, #tpu.memory_space<hbm>>) target(%arg8 : memref<32768xf32, #tpu.memory_space<vmem>>) target_semaphore(%arg12 : memref<!tpu.dma_semaphore, #tpu.memory_space<semaphore_mem>>)
      } else {
      }
      %mul3A_46 = arith.constant 32768 : i32
      %mul3A_47 = arith.muli %add3A_38, %mul3A_46 : i32
      %add3A_48 = arith.addi %mul3A_2, %mul3A_47 : i32
      %dma_wait3A_49 = tpu.memref_slice %arg2[%add3A_48] : memref<16777216xf32, #tpu.memory_space<hbm>> -> memref<32768xf32, #tpu.memory_space<hbm>>
      %dma_wait3A_50 = tpu.memref_slice %arg2[%add3A_48] : memref<16777216xf32, #tpu.memory_space<hbm>> -> memref<32768xf32, #tpu.memory_space<hbm>>
      tpu.wait_dma2 semaphore(%arg13 : memref<!tpu.dma_semaphore, #tpu.memory_space<semaphore_mem>>) src(%dma_wait3A_50 : memref<32768xf32, #tpu.memory_space<hbm>>) dst(%arg9 : memref<32768xf32, #tpu.memory_space<vmem>>)
      %parallel_loop3A_51 = arith.constant 0 : i32
      %parallel_loop3A_52 = arith.constant 2048 : i32
      %parallel_loop3A_53 = arith.constant 1 : i32
      %parallel_loop3A_54 = scf.for %parallel_loop3A_55 = %parallel_loop3A_51 to %parallel_loop3A_52 step %parallel_loop3A_53 iter_args(%parallel_loop3A_56 = %parallel_loop3A_34) -> (vector<16xf32>)  : i32 {
        %parallel_loop3A_57 = arith.constant 16 : i32
        %parallel_loop3A_58 = arith.muli %parallel_loop3A_55, %parallel_loop3A_57 : i32
        %parallel_loop3A_59 = arith.index_cast %parallel_loop3A_58 : i32 to index
        %parallel_loop3A_60 = tpu.vector_load %arg9[%parallel_loop3A_59] {strides = array<i32>} : memref<32768xf32, #tpu.memory_space<vmem>>, vector<16xf32>,
        %parallel_loop3A_61 = tpu.bitcast %parallel_loop3A_60 : vector<16xf32> -> vector<16xi32>
        %parallel_loop3A_62 = arith.constant 0 : i32
        %parallel_loop3A_63 = vector.broadcast %parallel_loop3A_62 : i32 to vector<16xi32>
        %parallel_loop3A_64 = arith.cmpi slt, %parallel_loop3A_61, %parallel_loop3A_63 : vector<16xi32>
        %parallel_loop3A_65 = arith.constant -1 : i32
        %parallel_loop3A_66 = arith.constant -2147483648 : i32
        %parallel_loop3A_67 = vector.broadcast %parallel_loop3A_65 : i32 to vector<16xi32>
        %parallel_loop3A_68 = vector.broadcast %parallel_loop3A_66 : i32 to vector<16xi32>
        %parallel_loop3A_69 = arith.select %parallel_loop3A_64, %parallel_loop3A_67, %parallel_loop3A_68 : vector<16xi1>, vector<16xi32>
        %parallel_loop3A_70 = arith.xori %parallel_loop3A_61, %parallel_loop3A_69 : vector<16xi32>
        %parallel_loop3A_71 = arith.constant 17 : i32
        %parallel_loop3A_72 = vector.broadcast %parallel_loop3A_71 : i32 to vector<16xi32>
        %parallel_loop3A_73 = arith.shrui %parallel_loop3A_70, %parallel_loop3A_72 : vector<16xi32>
        %parallel_loop3A_74 = arith.constant 2 : i32
        %parallel_loop3A_75 = vector.broadcast %parallel_loop3A_74 : i32 to vector<16xi32>
        %parallel_loop3A_76 = arith.shrui %parallel_loop3A_70, %parallel_loop3A_75 : vector<16xi32>
        %parallel_loop3A_77 = arith.constant 32767 : i32
        %parallel_loop3A_78 = vector.broadcast %parallel_loop3A_77 : i32 to vector<16xi32>
        %parallel_loop3A_79 = arith.andi %parallel_loop3A_76, %parallel_loop3A_78 : vector<16xi32>
        %parallel_loop3A_80 = arith.cmpi slt, %parallel_loop3A_73, %get3A_3 : vector<16xi32>
        %parallel_loop3A_81 = arith.select %parallel_loop3A_80, %parallel_loop3A_60, %broadcast_in_dim3A_6 : vector<16xi1>, vector<16xf32>
        %parallel_loop3A_82 = arith.addf %parallel_loop3A_56, %parallel_loop3A_81 : vector<16xf32>
        %parallel_loop3A_83 = arith.cmpi eq, %parallel_loop3A_73, %get3A_3 : vector<16xi32>
        tpu.vector_store_idx %arg7[%parallel_loop3A_79], %broadcast_in_dim3A_4 masked %parallel_loop3A_83 {add = true} : memref<32768xi32, #tpu.memory_space<vmem>>[vector<16xi32>], vector<16xi32>, vector<16xi1>
        scf.yield %parallel_loop3A_82 : vector<16xf32>
      } {sc.loop_unroll_factor = 8 : i64, sc.parallel_access}
      scf.yield %parallel_loop3A_54 : vector<16xf32>
    }
    %scan3A_14 = arith.constant 8 : i32
    %swap3A = arith.constant 0 : index
    %swap3A_15 = tpu.vector_load %arg11[%swap3A] {strides = array<i32>} : memref<16xf32, #tpu.memory_space<vmem>>, vector<16xf32>,
    tpu.vector_store %arg11[%swap3A], %scan3A_13 {strides = array<i32>} : memref<16xf32, #tpu.memory_space<vmem>>, vector<16xf32>,
    "tpu.region"() ({
      %run_scoped3A_18 = tpu.sem_alloc : memref<!tpu.dma_semaphore, #tpu.memory_space<semaphore_mem>>
      %dma_start3A_19 = arith.constant 0 : i32
      %dma_start3A_20 = tpu.memref_slice %arg6[%add3A, %dma_start3A_19] : memref<32x16xf32, #tpu.memory_space<hbm>> -> memref<1x16xf32, #tpu.memory_space<hbm>>
      %dma_start3A_21 = tpu.memref_squeeze %dma_start3A_20 : memref<1x16xf32, #tpu.memory_space<hbm>> -> memref<16xf32, #tpu.memory_space<hbm>>
      %dma_start3A_22 = arith.constant 0 : i32
      %dma_start3A_23 = tpu.memref_slice %arg6[%add3A, %dma_start3A_22] : memref<32x16xf32, #tpu.memory_space<hbm>> -> memref<1x16xf32, #tpu.memory_space<hbm>>
      %dma_start3A_24 = tpu.memref_squeeze %dma_start3A_23 : memref<1x16xf32, #tpu.memory_space<hbm>> -> memref<16xf32, #tpu.memory_space<hbm>>
      tpu.enqueue_dma source(%arg11 : memref<16xf32, #tpu.memory_space<vmem>>) target(%dma_start3A_24 : memref<16xf32, #tpu.memory_space<hbm>>) target_semaphore(%run_scoped3A_18 : memref<!tpu.dma_semaphore, #tpu.memory_space<semaphore_mem>>)
      %dma_wait3A = arith.constant 0 : i32
      %dma_wait3A_25 = tpu.memref_slice %arg6[%add3A, %dma_wait3A] : memref<32x16xf32, #tpu.memory_space<hbm>> -> memref<1x16xf32, #tpu.memory_space<hbm>>
      %dma_wait3A_26 = tpu.memref_squeeze %dma_wait3A_25 : memref<1x16xf32, #tpu.memory_space<hbm>> -> memref<16xf32, #tpu.memory_space<hbm>>
      %dma_wait3A_27 = arith.constant 0 : i32
      %dma_wait3A_28 = tpu.memref_slice %arg6[%add3A, %dma_wait3A_27] : memref<32x16xf32, #tpu.memory_space<hbm>> -> memref<1x16xf32, #tpu.memory_space<hbm>>
      %dma_wait3A_29 = tpu.memref_squeeze %dma_wait3A_28 : memref<1x16xf32, #tpu.memory_space<hbm>> -> memref<16xf32, #tpu.memory_space<hbm>>
      tpu.wait_dma2 semaphore(%run_scoped3A_18 : memref<!tpu.dma_semaphore, #tpu.memory_space<semaphore_mem>>) src(%arg11 : memref<16xf32, #tpu.memory_space<vmem>>) dst(%dma_wait3A_29 : memref<16xf32, #tpu.memory_space<hbm>>)
      tpu.yield
    }) : () -> ()
    %mul3A_16 = arith.constant 32768 : i32
    %mul3A_17 = arith.muli %add3A, %mul3A_16 : i32
    "tpu.region"() ({
      %run_scoped3A_18 = tpu.sem_alloc : memref<!tpu.dma_semaphore, #tpu.memory_space<semaphore_mem>>
      %dma_start3A_19 = tpu.memref_slice %arg5[%mul3A_17] : memref<1048576xi32, #tpu.memory_space<hbm>> -> memref<32768xi32, #tpu.memory_space<hbm>>
      %dma_start3A_20 = tpu.memref_slice %arg5[%mul3A_17] : memref<1048576xi32, #tpu.memory_space<hbm>> -> memref<32768xi32, #tpu.memory_space<hbm>>
      tpu.enqueue_dma source(%arg7 : memref<32768xi32, #tpu.memory_space<vmem>>) target(%dma_start3A_20 : memref<32768xi32, #tpu.memory_space<hbm>>) target_semaphore(%run_scoped3A_18 : memref<!tpu.dma_semaphore, #tpu.memory_space<semaphore_mem>>)
      %dma_wait3A = tpu.memref_slice %arg5[%mul3A_17] : memref<1048576xi32, #tpu.memory_space<hbm>> -> memref<32768xi32, #tpu.memory_space<hbm>>
      %dma_wait3A_21 = tpu.memref_slice %arg5[%mul3A_17] : memref<1048576xi32, #tpu.memory_space<hbm>> -> memref<32768xi32, #tpu.memory_space<hbm>>
      tpu.wait_dma2 semaphore(%run_scoped3A_18 : memref<!tpu.dma_semaphore, #tpu.memory_space<semaphore_mem>>) src(%arg7 : memref<32768xi32, #tpu.memory_space<vmem>>) dst(%dma_wait3A_21 : memref<32768xi32, #tpu.memory_space<hbm>>)
      tpu.yield
    }) : () -> ()
    return
  }
}

#map = affine_map<(d0, d1) -> (0)>
module attributes {stable_mosaic.version = 14 : i64} {
  func.func @_pass1_body(%arg0: i32, %arg1: i32, %arg2: memref<16777216xf32, #tpu.memory_space<hbm>>, %arg3: memref<32768xi32, #tpu.memory_space<hbm>>, %arg4: memref<1048576xi32, #tpu.memory_space<hbm>>, %arg5: memref<32768xi32, #tpu.memory_space<vmem>>, %arg6: memref<32768xf32, #tpu.memory_space<vmem>>, %arg7: memref<32768xf32, #tpu.memory_space<vmem>>, %arg8: memref<!tpu.dma_semaphore, #tpu.memory_space<semaphore_mem>>, %arg9: memref<!tpu.dma_semaphore, #tpu.memory_space<semaphore_mem>>) attributes {dimension_semantics = [#tpu.dimension_semantics<core_parallel>, #tpu.dimension_semantics<subcore_parallel>], iteration_bounds = array<i64: 2, 16>, scalar_prefetch = 0 : i64, scratch_operands = 5 : i64, tpu.core_type = #tpu.core_type<sc_vector_subcore>, window_params = [{transform_indices = #map}, {transform_indices = #map}, {transform_indices = #map}]} {
    %mul3A = arith.constant 2 : i32
    %mul3A_0 = arith.muli %arg1, %mul3A : i32
    %add3A = arith.addi %mul3A_0, %arg0 : i32
    %mul3A_1 = arith.constant 524288 : i32
    %mul3A_2 = arith.muli %add3A, %mul3A_1 : i32
    "tpu.region"() ({
      %run_scoped3A = tpu.sem_alloc : memref<!tpu.dma_semaphore, #tpu.memory_space<semaphore_mem>>
      tpu.enqueue_dma source(%arg3 : memref<32768xi32, #tpu.memory_space<hbm>>) target(%arg5 : memref<32768xi32, #tpu.memory_space<vmem>>) target_semaphore(%run_scoped3A : memref<!tpu.dma_semaphore, #tpu.memory_space<semaphore_mem>>)
      tpu.wait_dma2 semaphore(%run_scoped3A : memref<!tpu.dma_semaphore, #tpu.memory_space<semaphore_mem>>) src(%arg3 : memref<32768xi32, #tpu.memory_space<hbm>>) dst(%arg5 : memref<32768xi32, #tpu.memory_space<vmem>>)
      tpu.yield
    }) : () -> ()
    %broadcast_in_dim3A = arith.constant 1 : i32
    %broadcast_in_dim3A_3 = vector.broadcast %broadcast_in_dim3A : i32 to vector<16xi32>
    %add3A_4 = arith.constant 0 : i32
    %add3A_5 = arith.addi %mul3A_2, %add3A_4 : i32
    %dma_start3A = tpu.memref_slice %arg2[%add3A_5] : memref<16777216xf32, #tpu.memory_space<hbm>> -> memref<32768xf32, #tpu.memory_space<hbm>>
    %dma_start3A_6 = tpu.memref_slice %arg2[%add3A_5] : memref<16777216xf32, #tpu.memory_space<hbm>> -> memref<32768xf32, #tpu.memory_space<hbm>>
    tpu.enqueue_dma source(%dma_start3A_6 : memref<32768xf32, #tpu.memory_space<hbm>>) target(%arg6 : memref<32768xf32, #tpu.memory_space<vmem>>) target_semaphore(%arg8 : memref<!tpu.dma_semaphore, #tpu.memory_space<semaphore_mem>>)
    %scan3A = arith.constant 0 : i32
    %scan3A_7 = arith.constant 0 : i32
    %scan3A_8 = arith.constant 8 : i32
    %scan3A_9 = arith.addi %scan3A_7, %scan3A_8 : i32
    %scan3A_10 = arith.constant 1 : i32
    scf.for %scan3A_14 = %scan3A_7 to %scan3A_9 step %scan3A_10  : i32 {
      %mul3A_15 = arith.constant 2 : i32
      %mul3A_16 = arith.muli %scan3A_14, %mul3A_15 : i32
      %add3A_17 = arith.constant 0 : i32
      %add3A_18 = arith.addi %mul3A_16, %add3A_17 : i32
      %add3A_19 = arith.constant 1 : i32
      %add3A_20 = arith.addi %add3A_18, %add3A_19 : i32
      %lt3A = arith.constant 16 : i32
      %lt3A_21 = arith.cmpi slt, %add3A_20, %lt3A : i32
      %convert_element_type3A = arith.extui %lt3A_21 : i1 to i32
      %cond3A = arith.constant 0 : i32
      %cond3A_22 = arith.cmpi ne, %convert_element_type3A, %cond3A : i32
      scf.if %cond3A_22 {
        %add3A_48 = arith.constant 1 : i32
        %add3A_49 = arith.addi %add3A_18, %add3A_48 : i32
        %mul3A_50 = arith.constant 32768 : i32
        %mul3A_51 = arith.muli %add3A_49, %mul3A_50 : i32
        %add3A_52 = arith.addi %mul3A_2, %mul3A_51 : i32
        %dma_start3A_53 = tpu.memref_slice %arg2[%add3A_52] : memref<16777216xf32, #tpu.memory_space<hbm>> -> memref<32768xf32, #tpu.memory_space<hbm>>
        %dma_start3A_54 = tpu.memref_slice %arg2[%add3A_52] : memref<16777216xf32, #tpu.memory_space<hbm>> -> memref<32768xf32, #tpu.memory_space<hbm>>
        tpu.enqueue_dma source(%dma_start3A_54 : memref<32768xf32, #tpu.memory_space<hbm>>) target(%arg7 : memref<32768xf32, #tpu.memory_space<vmem>>) target_semaphore(%arg9 : memref<!tpu.dma_semaphore, #tpu.memory_space<semaphore_mem>>)
      } else {
      }
      %mul3A_23 = arith.constant 32768 : i32
      %mul3A_24 = arith.muli %add3A_18, %mul3A_23 : i32
      %add3A_25 = arith.addi %mul3A_2, %mul3A_24 : i32
      %dma_wait3A = tpu.memref_slice %arg2[%add3A_25] : memref<16777216xf32, #tpu.memory_space<hbm>> -> memref<32768xf32, #tpu.memory_space<hbm>>
      %dma_wait3A_26 = tpu.memref_slice %arg2[%add3A_25] : memref<16777216xf32, #tpu.memory_space<hbm>> -> memref<32768xf32, #tpu.memory_space<hbm>>
      tpu.wait_dma2 semaphore(%arg8 : memref<!tpu.dma_semaphore, #tpu.memory_space<semaphore_mem>>) src(%dma_wait3A_26 : memref<32768xf32, #tpu.memory_space<hbm>>) dst(%arg6 : memref<32768xf32, #tpu.memory_space<vmem>>)
      %parallel_loop3A = arith.constant 0 : i32
      %parallel_loop3A_27 = arith.constant 2048 : i32
      %parallel_loop3A_28 = arith.constant 1 : i32
      scf.for %parallel_loop3A_48 = %parallel_loop3A to %parallel_loop3A_27 step %parallel_loop3A_28  : i32 {
        %parallel_loop3A_49 = arith.constant 16 : i32
        %parallel_loop3A_50 = arith.muli %parallel_loop3A_48, %parallel_loop3A_49 : i32
        %parallel_loop3A_51 = arith.index_cast %parallel_loop3A_50 : i32 to index
        %parallel_loop3A_52 = tpu.vector_load %arg6[%parallel_loop3A_51] {strides = array<i32>} : memref<32768xf32, #tpu.memory_space<vmem>>, vector<16xf32>,
        %parallel_loop3A_53 = tpu.bitcast %parallel_loop3A_52 : vector<16xf32> -> vector<16xi32>
        %parallel_loop3A_54 = arith.constant 0 : i32
        %parallel_loop3A_55 = vector.broadcast %parallel_loop3A_54 : i32 to vector<16xi32>
        %parallel_loop3A_56 = arith.cmpi slt, %parallel_loop3A_53, %parallel_loop3A_55 : vector<16xi32>
        %parallel_loop3A_57 = arith.constant -1 : i32
        %parallel_loop3A_58 = arith.constant -2147483648 : i32
        %parallel_loop3A_59 = vector.broadcast %parallel_loop3A_57 : i32 to vector<16xi32>
        %parallel_loop3A_60 = vector.broadcast %parallel_loop3A_58 : i32 to vector<16xi32>
        %parallel_loop3A_61 = arith.select %parallel_loop3A_56, %parallel_loop3A_59, %parallel_loop3A_60 : vector<16xi1>, vector<16xi32>
        %parallel_loop3A_62 = arith.xori %parallel_loop3A_53, %parallel_loop3A_61 : vector<16xi32>
        %parallel_loop3A_63 = arith.constant 17 : i32
        %parallel_loop3A_64 = vector.broadcast %parallel_loop3A_63 : i32 to vector<16xi32>
        %parallel_loop3A_65 = arith.shrui %parallel_loop3A_62, %parallel_loop3A_64 : vector<16xi32>
        tpu.vector_store_idx %arg5[%parallel_loop3A_65], %broadcast_in_dim3A_3 {add = true} : memref<32768xi32, #tpu.memory_space<vmem>>[vector<16xi32>], vector<16xi32>,
      } {sc.loop_unroll_factor = 8 : i64, sc.parallel_access}
      %mul3A_29 = arith.constant 2 : i32
      %mul3A_30 = arith.muli %scan3A_14, %mul3A_29 : i32
      %add3A_31 = arith.constant 1 : i32
      %add3A_32 = arith.addi %mul3A_30, %add3A_31 : i32
      %add3A_33 = arith.constant 1 : i32
      %add3A_34 = arith.addi %add3A_32, %add3A_33 : i32
      %lt3A_35 = arith.constant 16 : i32
      %lt3A_36 = arith.cmpi slt, %add3A_34, %lt3A_35 : i32
      %convert_element_type3A_37 = arith.extui %lt3A_36 : i1 to i32
      %cond3A_38 = arith.constant 0 : i32
      %cond3A_39 = arith.cmpi ne, %convert_element_type3A_37, %cond3A_38 : i32
      scf.if %cond3A_39 {
        %add3A_48 = arith.constant 1 : i32
        %add3A_49 = arith.addi %add3A_32, %add3A_48 : i32
        %mul3A_50 = arith.constant 32768 : i32
        %mul3A_51 = arith.muli %add3A_49, %mul3A_50 : i32
        %add3A_52 = arith.addi %mul3A_2, %mul3A_51 : i32
        %dma_start3A_53 = tpu.memref_slice %arg2[%add3A_52] : memref<16777216xf32, #tpu.memory_space<hbm>> -> memref<32768xf32, #tpu.memory_space<hbm>>
        %dma_start3A_54 = tpu.memref_slice %arg2[%add3A_52] : memref<16777216xf32, #tpu.memory_space<hbm>> -> memref<32768xf32, #tpu.memory_space<hbm>>
        tpu.enqueue_dma source(%dma_start3A_54 : memref<32768xf32, #tpu.memory_space<hbm>>) target(%arg6 : memref<32768xf32, #tpu.memory_space<vmem>>) target_semaphore(%arg8 : memref<!tpu.dma_semaphore, #tpu.memory_space<semaphore_mem>>)
      } else {
      }
      %mul3A_40 = arith.constant 32768 : i32
      %mul3A_41 = arith.muli %add3A_32, %mul3A_40 : i32
      %add3A_42 = arith.addi %mul3A_2, %mul3A_41 : i32
      %dma_wait3A_43 = tpu.memref_slice %arg2[%add3A_42] : memref<16777216xf32, #tpu.memory_space<hbm>> -> memref<32768xf32, #tpu.memory_space<hbm>>
      %dma_wait3A_44 = tpu.memref_slice %arg2[%add3A_42] : memref<16777216xf32, #tpu.memory_space<hbm>> -> memref<32768xf32, #tpu.memory_space<hbm>>
      tpu.wait_dma2 semaphore(%arg9 : memref<!tpu.dma_semaphore, #tpu.memory_space<semaphore_mem>>) src(%dma_wait3A_44 : memref<32768xf32, #tpu.memory_space<hbm>>) dst(%arg7 : memref<32768xf32, #tpu.memory_space<vmem>>)
      %parallel_loop3A_45 = arith.constant 0 : i32
      %parallel_loop3A_46 = arith.constant 2048 : i32
      %parallel_loop3A_47 = arith.constant 1 : i32
      scf.for %parallel_loop3A_48 = %parallel_loop3A_45 to %parallel_loop3A_46 step %parallel_loop3A_47  : i32 {
        %parallel_loop3A_49 = arith.constant 16 : i32
        %parallel_loop3A_50 = arith.muli %parallel_loop3A_48, %parallel_loop3A_49 : i32
        %parallel_loop3A_51 = arith.index_cast %parallel_loop3A_50 : i32 to index
        %parallel_loop3A_52 = tpu.vector_load %arg7[%parallel_loop3A_51] {strides = array<i32>} : memref<32768xf32, #tpu.memory_space<vmem>>, vector<16xf32>,
        %parallel_loop3A_53 = tpu.bitcast %parallel_loop3A_52 : vector<16xf32> -> vector<16xi32>
        %parallel_loop3A_54 = arith.constant 0 : i32
        %parallel_loop3A_55 = vector.broadcast %parallel_loop3A_54 : i32 to vector<16xi32>
        %parallel_loop3A_56 = arith.cmpi slt, %parallel_loop3A_53, %parallel_loop3A_55 : vector<16xi32>
        %parallel_loop3A_57 = arith.constant -1 : i32
        %parallel_loop3A_58 = arith.constant -2147483648 : i32
        %parallel_loop3A_59 = vector.broadcast %parallel_loop3A_57 : i32 to vector<16xi32>
        %parallel_loop3A_60 = vector.broadcast %parallel_loop3A_58 : i32 to vector<16xi32>
        %parallel_loop3A_61 = arith.select %parallel_loop3A_56, %parallel_loop3A_59, %parallel_loop3A_60 : vector<16xi1>, vector<16xi32>
        %parallel_loop3A_62 = arith.xori %parallel_loop3A_53, %parallel_loop3A_61 : vector<16xi32>
        %parallel_loop3A_63 = arith.constant 17 : i32
        %parallel_loop3A_64 = vector.broadcast %parallel_loop3A_63 : i32 to vector<16xi32>
        %parallel_loop3A_65 = arith.shrui %parallel_loop3A_62, %parallel_loop3A_64 : vector<16xi32>
        tpu.vector_store_idx %arg5[%parallel_loop3A_65], %broadcast_in_dim3A_3 {add = true} : memref<32768xi32, #tpu.memory_space<vmem>>[vector<16xi32>], vector<16xi32>,
      } {sc.loop_unroll_factor = 8 : i64, sc.parallel_access}
    }
    %scan3A_11 = arith.constant 8 : i32
    %mul3A_12 = arith.constant 32768 : i32
    %mul3A_13 = arith.muli %add3A, %mul3A_12 : i32
    "tpu.region"() ({
      %run_scoped3A = tpu.sem_alloc : memref<!tpu.dma_semaphore, #tpu.memory_space<semaphore_mem>>
      %dma_start3A_14 = tpu.memref_slice %arg4[%mul3A_13] : memref<1048576xi32, #tpu.memory_space<hbm>> -> memref<32768xi32, #tpu.memory_space<hbm>>
      %dma_start3A_15 = tpu.memref_slice %arg4[%mul3A_13] : memref<1048576xi32, #tpu.memory_space<hbm>> -> memref<32768xi32, #tpu.memory_space<hbm>>
      tpu.enqueue_dma source(%arg5 : memref<32768xi32, #tpu.memory_space<vmem>>) target(%dma_start3A_15 : memref<32768xi32, #tpu.memory_space<hbm>>) target_semaphore(%run_scoped3A : memref<!tpu.dma_semaphore, #tpu.memory_space<semaphore_mem>>)
      %dma_wait3A = tpu.memref_slice %arg4[%mul3A_13] : memref<1048576xi32, #tpu.memory_space<hbm>> -> memref<32768xi32, #tpu.memory_space<hbm>>
      %dma_wait3A_16 = tpu.memref_slice %arg4[%mul3A_13] : memref<1048576xi32, #tpu.memory_space<hbm>> -> memref<32768xi32, #tpu.memory_space<hbm>>
      tpu.wait_dma2 semaphore(%run_scoped3A : memref<!tpu.dma_semaphore, #tpu.memory_space<semaphore_mem>>) src(%arg5 : memref<32768xi32, #tpu.memory_space<vmem>>) dst(%dma_wait3A_16 : memref<32768xi32, #tpu.memory_space<hbm>>)
      tpu.yield
    }) : () -> ()
    return
  }
}

module attributes {stable_mosaic.version = 14 : i64} {
  func.func @_merge1_body(%arg0: memref<8192x128xi32, #tpu.memory_space<vmem>>, %arg1: memref<4x16xi32, #tpu.memory_space<vmem>>) attributes {dimension_semantics = [], scalar_prefetch = 0 : i64, scratch_operands = 0 : i64, tpu.core_type = #tpu.core_type<tc>} {
    %get3A = arith.constant 0 : index
    %get3A_0 = arith.constant 0 : index
    %get3A_1 = vector.load %arg0[%get3A, %get3A_0] : memref<8192x128xi32, #tpu.memory_space<vmem>>, vector<8192x128xi32>
    %convert_element_type3A = arith.sitofp %get3A_1 : vector<8192x128xi32> to vector<8192x128xf32>
    %slice3A = vector.extract_strided_slice %convert_element_type3A {offsets = [0, 0], sizes = [256, 128], strides = [1, 1]} : vector<8192x128xf32> to vector<256x128xf32>
    %slice3A_2 = vector.extract_strided_slice %convert_element_type3A {offsets = [256, 0], sizes = [256, 128], strides = [1, 1]} : vector<8192x128xf32> to vector<256x128xf32>
    %add3A = arith.addf %slice3A, %slice3A_2 : vector<256x128xf32>
    %slice3A_3 = vector.extract_strided_slice %convert_element_type3A {offsets = [512, 0], sizes = [256, 128], strides = [1, 1]} : vector<8192x128xf32> to vector<256x128xf32>
    %add3A_4 = arith.addf %add3A, %slice3A_3 : vector<256x128xf32>
    %slice3A_5 = vector.extract_strided_slice %convert_element_type3A {offsets = [768, 0], sizes = [256, 128], strides = [1, 1]} : vector<8192x128xf32> to vector<256x128xf32>
    %add3A_6 = arith.addf %add3A_4, %slice3A_5 : vector<256x128xf32>
    %slice3A_7 = vector.extract_strided_slice %convert_element_type3A {offsets = [1024, 0], sizes = [256, 128], strides = [1, 1]} : vector<8192x128xf32> to vector<256x128xf32>
    %add3A_8 = arith.addf %add3A_6, %slice3A_7 : vector<256x128xf32>
    %slice3A_9 = vector.extract_strided_slice %convert_element_type3A {offsets = [1280, 0], sizes = [256, 128], strides = [1, 1]} : vector<8192x128xf32> to vector<256x128xf32>
    %add3A_10 = arith.addf %add3A_8, %slice3A_9 : vector<256x128xf32>
    %slice3A_11 = vector.extract_strided_slice %convert_element_type3A {offsets = [1536, 0], sizes = [256, 128], strides = [1, 1]} : vector<8192x128xf32> to vector<256x128xf32>
    %add3A_12 = arith.addf %add3A_10, %slice3A_11 : vector<256x128xf32>
    %slice3A_13 = vector.extract_strided_slice %convert_element_type3A {offsets = [1792, 0], sizes = [256, 128], strides = [1, 1]} : vector<8192x128xf32> to vector<256x128xf32>
    %add3A_14 = arith.addf %add3A_12, %slice3A_13 : vector<256x128xf32>
    %slice3A_15 = vector.extract_strided_slice %convert_element_type3A {offsets = [2048, 0], sizes = [256, 128], strides = [1, 1]} : vector<8192x128xf32> to vector<256x128xf32>
    %add3A_16 = arith.addf %add3A_14, %slice3A_15 : vector<256x128xf32>
    %slice3A_17 = vector.extract_strided_slice %convert_element_type3A {offsets = [2304, 0], sizes = [256, 128], strides = [1, 1]} : vector<8192x128xf32> to vector<256x128xf32>
    %add3A_18 = arith.addf %add3A_16, %slice3A_17 : vector<256x128xf32>
    %slice3A_19 = vector.extract_strided_slice %convert_element_type3A {offsets = [2560, 0], sizes = [256, 128], strides = [1, 1]} : vector<8192x128xf32> to vector<256x128xf32>
    %add3A_20 = arith.addf %add3A_18, %slice3A_19 : vector<256x128xf32>
    %slice3A_21 = vector.extract_strided_slice %convert_element_type3A {offsets = [2816, 0], sizes = [256, 128], strides = [1, 1]} : vector<8192x128xf32> to vector<256x128xf32>
    %add3A_22 = arith.addf %add3A_20, %slice3A_21 : vector<256x128xf32>
    %slice3A_23 = vector.extract_strided_slice %convert_element_type3A {offsets = [3072, 0], sizes = [256, 128], strides = [1, 1]} : vector<8192x128xf32> to vector<256x128xf32>
    %add3A_24 = arith.addf %add3A_22, %slice3A_23 : vector<256x128xf32>
    %slice3A_25 = vector.extract_strided_slice %convert_element_type3A {offsets = [3328, 0], sizes = [256, 128], strides = [1, 1]} : vector<8192x128xf32> to vector<256x128xf32>
    %add3A_26 = arith.addf %add3A_24, %slice3A_25 : vector<256x128xf32>
    %slice3A_27 = vector.extract_strided_slice %convert_element_type3A {offsets = [3584, 0], sizes = [256, 128], strides = [1, 1]} : vector<8192x128xf32> to vector<256x128xf32>
    %add3A_28 = arith.addf %add3A_26, %slice3A_27 : vector<256x128xf32>
    %slice3A_29 = vector.extract_strided_slice %convert_element_type3A {offsets = [3840, 0], sizes = [256, 128], strides = [1, 1]} : vector<8192x128xf32> to vector<256x128xf32>
    %add3A_30 = arith.addf %add3A_28, %slice3A_29 : vector<256x128xf32>
    %slice3A_31 = vector.extract_strided_slice %convert_element_type3A {offsets = [4096, 0], sizes = [256, 128], strides = [1, 1]} : vector<8192x128xf32> to vector<256x128xf32>
    %add3A_32 = arith.addf %add3A_30, %slice3A_31 : vector<256x128xf32>
    %slice3A_33 = vector.extract_strided_slice %convert_element_type3A {offsets = [4352, 0], sizes = [256, 128], strides = [1, 1]} : vector<8192x128xf32> to vector<256x128xf32>
    %add3A_34 = arith.addf %add3A_32, %slice3A_33 : vector<256x128xf32>
    %slice3A_35 = vector.extract_strided_slice %convert_element_type3A {offsets = [4608, 0], sizes = [256, 128], strides = [1, 1]} : vector<8192x128xf32> to vector<256x128xf32>
    %add3A_36 = arith.addf %add3A_34, %slice3A_35 : vector<256x128xf32>
    %slice3A_37 = vector.extract_strided_slice %convert_element_type3A {offsets = [4864, 0], sizes = [256, 128], strides = [1, 1]} : vector<8192x128xf32> to vector<256x128xf32>
    %add3A_38 = arith.addf %add3A_36, %slice3A_37 : vector<256x128xf32>
    %slice3A_39 = vector.extract_strided_slice %convert_element_type3A {offsets = [5120, 0], sizes = [256, 128], strides = [1, 1]} : vector<8192x128xf32> to vector<256x128xf32>
    %add3A_40 = arith.addf %add3A_38, %slice3A_39 : vector<256x128xf32>
    %slice3A_41 = vector.extract_strided_slice %convert_element_type3A {offsets = [5376, 0], sizes = [256, 128], strides = [1, 1]} : vector<8192x128xf32> to vector<256x128xf32>
    %add3A_42 = arith.addf %add3A_40, %slice3A_41 : vector<256x128xf32>
    %slice3A_43 = vector.extract_strided_slice %convert_element_type3A {offsets = [5632, 0], sizes = [256, 128], strides = [1, 1]} : vector<8192x128xf32> to vector<256x128xf32>
    %add3A_44 = arith.addf %add3A_42, %slice3A_43 : vector<256x128xf32>
    %slice3A_45 = vector.extract_strided_slice %convert_element_type3A {offsets = [5888, 0], sizes = [256, 128], strides = [1, 1]} : vector<8192x128xf32> to vector<256x128xf32>
    %add3A_46 = arith.addf %add3A_44, %slice3A_45 : vector<256x128xf32>
    %slice3A_47 = vector.extract_strided_slice %convert_element_type3A {offsets = [6144, 0], sizes = [256, 128], strides = [1, 1]} : vector<8192x128xf32> to vector<256x128xf32>
    %add3A_48 = arith.addf %add3A_46, %slice3A_47 : vector<256x128xf32>
    %slice3A_49 = vector.extract_strided_slice %convert_element_type3A {offsets = [6400, 0], sizes = [256, 128], strides = [1, 1]} : vector<8192x128xf32> to vector<256x128xf32>
    %add3A_50 = arith.addf %add3A_48, %slice3A_49 : vector<256x128xf32>
    %slice3A_51 = vector.extract_strided_slice %convert_element_type3A {offsets = [6656, 0], sizes = [256, 128], strides = [1, 1]} : vector<8192x128xf32> to vector<256x128xf32>
    %add3A_52 = arith.addf %add3A_50, %slice3A_51 : vector<256x128xf32>
    %slice3A_53 = vector.extract_strided_slice %convert_element_type3A {offsets = [6912, 0], sizes = [256, 128], strides = [1, 1]} : vector<8192x128xf32> to vector<256x128xf32>
    %add3A_54 = arith.addf %add3A_52, %slice3A_53 : vector<256x128xf32>
    %slice3A_55 = vector.extract_strided_slice %convert_element_type3A {offsets = [7168, 0], sizes = [256, 128], strides = [1, 1]} : vector<8192x128xf32> to vector<256x128xf32>
    %add3A_56 = arith.addf %add3A_54, %slice3A_55 : vector<256x128xf32>
    %slice3A_57 = vector.extract_strided_slice %convert_element_type3A {offsets = [7424, 0], sizes = [256, 128], strides = [1, 1]} : vector<8192x128xf32> to vector<256x128xf32>
    %add3A_58 = arith.addf %add3A_56, %slice3A_57 : vector<256x128xf32>
    %slice3A_59 = vector.extract_strided_slice %convert_element_type3A {offsets = [7680, 0], sizes = [256, 128], strides = [1, 1]} : vector<8192x128xf32> to vector<256x128xf32>
    %add3A_60 = arith.addf %add3A_58, %slice3A_59 : vector<256x128xf32>
    %slice3A_61 = vector.extract_strided_slice %convert_element_type3A {offsets = [7936, 0], sizes = [256, 128], strides = [1, 1]} : vector<8192x128xf32> to vector<256x128xf32>
    %add3A_62 = arith.addf %add3A_60, %slice3A_61 : vector<256x128xf32>
    %reduce_sum3A = arith.constant dense<0.000000e+00> : vector<256xf32>
    %reduce_sum3A_63 = vector.multi_reduction <add>, %add3A_62, %reduce_sum3A [1] : vector<256x128xf32> to vector<256xf32>
    %broadcast_in_dim3A = vector.shape_cast %reduce_sum3A_63 : vector<256xf32> to vector<256x1xf32>
    %iota3A = tpu.iota {dimensions = array<i32: 0>} : vector<256x256xi32>
    %iota3A_64 = tpu.iota {dimensions = array<i32: 1>} : vector<256x256xi32>
    %lt3A = arith.cmpi slt, %iota3A_64, %iota3A : vector<256x256xi32>
    %convert_element_type3A_65 = arith.extui %lt3A : vector<256x256xi1> to vector<256x256xi32>
    %convert_element_type3A_66 = arith.sitofp %convert_element_type3A_65 : vector<256x256xi32> to vector<256x256xf32>
    %dot_general3A = arith.constant dense<0.000000e+00> : vector<256x1xf32>
    %dot_general3A_67 = tpu.matmul %convert_element_type3A_66, %broadcast_in_dim3A, %dot_general3A {dimension_numbers = #tpu.dot_dimension_numbers<[1], [0], [0], [1], [0, 0, 1, 1], [], []>, precision = #tpu.contract_precision<fp32>, transpose_lhs_hint = false} : vector<256x256xf32>, vector<256x1xf32>, vector<256x1xf32> -> vector<256x1xf32>
    %iota3A_68 = tpu.iota {dimensions = array<i32: 0>} : vector<128x128xi32>
    %iota3A_69 = tpu.iota {dimensions = array<i32: 1>} : vector<128x128xi32>
    %lt3A_70 = arith.cmpi slt, %iota3A_68, %iota3A_69 : vector<128x128xi32>
    %convert_element_type3A_71 = arith.extui %lt3A_70 : vector<128x128xi1> to vector<128x128xi32>
    %convert_element_type3A_72 = arith.sitofp %convert_element_type3A_71 : vector<128x128xi32> to vector<128x128xf32>
    %dot_general3A_73 = arith.constant dense<0.000000e+00> : vector<256x128xf32>
    %dot_general3A_74 = tpu.matmul %add3A_62, %convert_element_type3A_72, %dot_general3A_73 {dimension_numbers = #tpu.dot_dimension_numbers<[1], [0], [0], [1], [0, 0, 1, 1], [], []>, precision = #tpu.contract_precision<fp32>, transpose_lhs_hint = false} : vector<256x128xf32>, vector<128x128xf32>, vector<256x128xf32> -> vector<256x128xf32>
    %add3A_75 = vector.broadcast %dot_general3A_67 : vector<256x1xf32> to vector<256x128xf32>
    %add3A_76 = arith.addf %add3A_75, %dot_general3A_74 : vector<256x128xf32>
    %add3A_77 = arith.addf %add3A_76, %add3A_62 : vector<256x128xf32>
    %lt3A_78 = arith.constant 8.388610e+05 : f32
    %lt3A_79 = vector.broadcast %lt3A_78 : f32 to vector<256x128xf32>
    %lt3A_80 = arith.cmpf olt, %add3A_76, %lt3A_79 : vector<256x128xf32>
    %le3A = arith.constant 8.388610e+05 : f32
    %le3A_81 = vector.broadcast %le3A : f32 to vector<256x128xf32>
    %le3A_82 = arith.cmpf ole, %le3A_81, %add3A_77 : vector<256x128xf32>
    %and3A = arith.andi %lt3A_80, %le3A_82 : vector<256x128xi1>
    %iota3A_83 = tpu.iota {dimensions = array<i32: 0>} : vector<256x128xi32>
    %mul3A = arith.constant 128 : i32
    %mul3A_84 = vector.broadcast %mul3A : i32 to vector<256x128xi32>
    %mul3A_85 = arith.muli %iota3A_83, %mul3A_84 : vector<256x128xi32>
    %iota3A_86 = tpu.iota {dimensions = array<i32: 1>} : vector<256x128xi32>
    %add3A_87 = arith.addi %mul3A_85, %iota3A_86 : vector<256x128xi32>
    %jit3A = arith.constant 0 : i32
    %broadcast_in_dim3A_88 = vector.broadcast %jit3A : i32 to vector<256x128xi32>
    %select_n3A = arith.select %and3A, %add3A_87, %broadcast_in_dim3A_88 : vector<256x128xi1>, vector<256x128xi32>
    %reduce_sum3A_89 = vector.shape_cast %select_n3A : vector<256x128xi32> to vector<1x256x128xi32>
    %reduce_sum3A_90 = arith.constant dense<0> : vector<1xi32>
    %reduce_sum3A_91 = vector.multi_reduction <add>, %reduce_sum3A_89, %reduce_sum3A_90 [1, 2] : vector<1x256x128xi32> to vector<1xi32>
    %reduce_sum3A_92 = vector.shape_cast %reduce_sum3A_91 : vector<1xi32> to vector<1x1x1xi32>
    %reduce_sum3A_93 = vector.extract %reduce_sum3A_92[0, 0, 0] : i32 from vector<1x1x1xi32>
    %jit3A_94 = arith.constant 0.000000e+00 : f32
    %broadcast_in_dim3A_95 = vector.broadcast %jit3A_94 : f32 to vector<256x128xf32>
    %select_n3A_96 = arith.select %and3A, %add3A_76, %broadcast_in_dim3A_95 : vector<256x128xi1>, vector<256x128xf32>
    %reduce_sum3A_97 = vector.shape_cast %select_n3A_96 : vector<256x128xf32> to vector<1x256x128xf32>
    %reduce_sum3A_98 = arith.constant dense<0.000000e+00> : vector<1xf32>
    %reduce_sum3A_99 = vector.multi_reduction <add>, %reduce_sum3A_97, %reduce_sum3A_98 [1, 2] : vector<1x256x128xf32> to vector<1xf32>
    %reduce_sum3A_100 = vector.shape_cast %reduce_sum3A_99 : vector<1xf32> to vector<1x1x1xf32>
    %reduce_sum3A_101 = vector.extract %reduce_sum3A_100[0, 0, 0] : f32 from vector<1x1x1xf32>
    %convert_element_type3A_102 = arith.fptosi %reduce_sum3A_101 : f32 to i32
    %iota3A_103 = tpu.iota {dimensions = array<i32: 0>} : vector<4x16xi32>
    %eq3A = arith.constant 0 : i32
    %eq3A_104 = vector.broadcast %eq3A : i32 to vector<4x16xi32>
    %eq3A_105 = arith.cmpi eq, %iota3A_103, %eq3A_104 : vector<4x16xi32>
    %broadcast_in_dim3A_106 = vector.broadcast %reduce_sum3A_93 : i32 to vector<4x16xi32>
    %broadcast_in_dim3A_107 = vector.broadcast %convert_element_type3A_102 : i32 to vector<4x16xi32>
    %select_n3A_108 = arith.select %eq3A_105, %broadcast_in_dim3A_106, %broadcast_in_dim3A_107 : vector<4x16xi1>, vector<4x16xi32>
    %swap3A = arith.constant 0 : index
    %swap3A_109 = arith.constant 0 : index
    %swap3A_110 = vector.load %arg1[%swap3A, %swap3A_109] : memref<4x16xi32, #tpu.memory_space<vmem>>, vector<4x16xi32>
    tpu.vector_store %arg1[%swap3A, %swap3A_109], %select_n3A_108 {strides = array<i32>} : memref<4x16xi32, #tpu.memory_space<vmem>>, vector<4x16xi32>,
    return
  }
}

module attributes {stable_mosaic.version = 14 : i64} {
  func.func @_merge2_body(%arg0: memref<8192x128xi32, #tpu.memory_space<vmem>>, %arg1: memref<32x16xf32, #tpu.memory_space<vmem>>, %arg2: memref<4x16xi32, #tpu.memory_space<vmem>>, %arg3: memref<1x1xf32, #tpu.memory_space<vmem>>) attributes {dimension_semantics = [], scalar_prefetch = 0 : i64, scratch_operands = 0 : i64, tpu.core_type = #tpu.core_type<tc>} {
    %get3A = arith.constant 0 : index
    %get3A_0 = arith.constant 0 : index
    %get3A_1 = vector.load %arg0[%get3A, %get3A_0] : memref<8192x128xi32, #tpu.memory_space<vmem>>, vector<8192x128xi32>
    %convert_element_type3A = arith.sitofp %get3A_1 : vector<8192x128xi32> to vector<8192x128xf32>
    %slice3A = vector.extract_strided_slice %convert_element_type3A {offsets = [0, 0], sizes = [256, 128], strides = [1, 1]} : vector<8192x128xf32> to vector<256x128xf32>
    %slice3A_2 = vector.extract_strided_slice %convert_element_type3A {offsets = [256, 0], sizes = [256, 128], strides = [1, 1]} : vector<8192x128xf32> to vector<256x128xf32>
    %add3A = arith.addf %slice3A, %slice3A_2 : vector<256x128xf32>
    %slice3A_3 = vector.extract_strided_slice %convert_element_type3A {offsets = [512, 0], sizes = [256, 128], strides = [1, 1]} : vector<8192x128xf32> to vector<256x128xf32>
    %add3A_4 = arith.addf %add3A, %slice3A_3 : vector<256x128xf32>
    %slice3A_5 = vector.extract_strided_slice %convert_element_type3A {offsets = [768, 0], sizes = [256, 128], strides = [1, 1]} : vector<8192x128xf32> to vector<256x128xf32>
    %add3A_6 = arith.addf %add3A_4, %slice3A_5 : vector<256x128xf32>
    %slice3A_7 = vector.extract_strided_slice %convert_element_type3A {offsets = [1024, 0], sizes = [256, 128], strides = [1, 1]} : vector<8192x128xf32> to vector<256x128xf32>
    %add3A_8 = arith.addf %add3A_6, %slice3A_7 : vector<256x128xf32>
    %slice3A_9 = vector.extract_strided_slice %convert_element_type3A {offsets = [1280, 0], sizes = [256, 128], strides = [1, 1]} : vector<8192x128xf32> to vector<256x128xf32>
    %add3A_10 = arith.addf %add3A_8, %slice3A_9 : vector<256x128xf32>
    %slice3A_11 = vector.extract_strided_slice %convert_element_type3A {offsets = [1536, 0], sizes = [256, 128], strides = [1, 1]} : vector<8192x128xf32> to vector<256x128xf32>
    %add3A_12 = arith.addf %add3A_10, %slice3A_11 : vector<256x128xf32>
    %slice3A_13 = vector.extract_strided_slice %convert_element_type3A {offsets = [1792, 0], sizes = [256, 128], strides = [1, 1]} : vector<8192x128xf32> to vector<256x128xf32>
    %add3A_14 = arith.addf %add3A_12, %slice3A_13 : vector<256x128xf32>
    %slice3A_15 = vector.extract_strided_slice %convert_element_type3A {offsets = [2048, 0], sizes = [256, 128], strides = [1, 1]} : vector<8192x128xf32> to vector<256x128xf32>
    %add3A_16 = arith.addf %add3A_14, %slice3A_15 : vector<256x128xf32>
    %slice3A_17 = vector.extract_strided_slice %convert_element_type3A {offsets = [2304, 0], sizes = [256, 128], strides = [1, 1]} : vector<8192x128xf32> to vector<256x128xf32>
    %add3A_18 = arith.addf %add3A_16, %slice3A_17 : vector<256x128xf32>
    %slice3A_19 = vector.extract_strided_slice %convert_element_type3A {offsets = [2560, 0], sizes = [256, 128], strides = [1, 1]} : vector<8192x128xf32> to vector<256x128xf32>
    %add3A_20 = arith.addf %add3A_18, %slice3A_19 : vector<256x128xf32>
    %slice3A_21 = vector.extract_strided_slice %convert_element_type3A {offsets = [2816, 0], sizes = [256, 128], strides = [1, 1]} : vector<8192x128xf32> to vector<256x128xf32>
    %add3A_22 = arith.addf %add3A_20, %slice3A_21 : vector<256x128xf32>
    %slice3A_23 = vector.extract_strided_slice %convert_element_type3A {offsets = [3072, 0], sizes = [256, 128], strides = [1, 1]} : vector<8192x128xf32> to vector<256x128xf32>
    %add3A_24 = arith.addf %add3A_22, %slice3A_23 : vector<256x128xf32>
    %slice3A_25 = vector.extract_strided_slice %convert_element_type3A {offsets = [3328, 0], sizes = [256, 128], strides = [1, 1]} : vector<8192x128xf32> to vector<256x128xf32>
    %add3A_26 = arith.addf %add3A_24, %slice3A_25 : vector<256x128xf32>
    %slice3A_27 = vector.extract_strided_slice %convert_element_type3A {offsets = [3584, 0], sizes = [256, 128], strides = [1, 1]} : vector<8192x128xf32> to vector<256x128xf32>
    %add3A_28 = arith.addf %add3A_26, %slice3A_27 : vector<256x128xf32>
    %slice3A_29 = vector.extract_strided_slice %convert_element_type3A {offsets = [3840, 0], sizes = [256, 128], strides = [1, 1]} : vector<8192x128xf32> to vector<256x128xf32>
    %add3A_30 = arith.addf %add3A_28, %slice3A_29 : vector<256x128xf32>
    %slice3A_31 = vector.extract_strided_slice %convert_element_type3A {offsets = [4096, 0], sizes = [256, 128], strides = [1, 1]} : vector<8192x128xf32> to vector<256x128xf32>
    %add3A_32 = arith.addf %add3A_30, %slice3A_31 : vector<256x128xf32>
    %slice3A_33 = vector.extract_strided_slice %convert_element_type3A {offsets = [4352, 0], sizes = [256, 128], strides = [1, 1]} : vector<8192x128xf32> to vector<256x128xf32>
    %add3A_34 = arith.addf %add3A_32, %slice3A_33 : vector<256x128xf32>
    %slice3A_35 = vector.extract_strided_slice %convert_element_type3A {offsets = [4608, 0], sizes = [256, 128], strides = [1, 1]} : vector<8192x128xf32> to vector<256x128xf32>
    %add3A_36 = arith.addf %add3A_34, %slice3A_35 : vector<256x128xf32>
    %slice3A_37 = vector.extract_strided_slice %convert_element_type3A {offsets = [4864, 0], sizes = [256, 128], strides = [1, 1]} : vector<8192x128xf32> to vector<256x128xf32>
    %add3A_38 = arith.addf %add3A_36, %slice3A_37 : vector<256x128xf32>
    %slice3A_39 = vector.extract_strided_slice %convert_element_type3A {offsets = [5120, 0], sizes = [256, 128], strides = [1, 1]} : vector<8192x128xf32> to vector<256x128xf32>
    %add3A_40 = arith.addf %add3A_38, %slice3A_39 : vector<256x128xf32>
    %slice3A_41 = vector.extract_strided_slice %convert_element_type3A {offsets = [5376, 0], sizes = [256, 128], strides = [1, 1]} : vector<8192x128xf32> to vector<256x128xf32>
    %add3A_42 = arith.addf %add3A_40, %slice3A_41 : vector<256x128xf32>
    %slice3A_43 = vector.extract_strided_slice %convert_element_type3A {offsets = [5632, 0], sizes = [256, 128], strides = [1, 1]} : vector<8192x128xf32> to vector<256x128xf32>
    %add3A_44 = arith.addf %add3A_42, %slice3A_43 : vector<256x128xf32>
    %slice3A_45 = vector.extract_strided_slice %convert_element_type3A {offsets = [5888, 0], sizes = [256, 128], strides = [1, 1]} : vector<8192x128xf32> to vector<256x128xf32>
    %add3A_46 = arith.addf %add3A_44, %slice3A_45 : vector<256x128xf32>
    %slice3A_47 = vector.extract_strided_slice %convert_element_type3A {offsets = [6144, 0], sizes = [256, 128], strides = [1, 1]} : vector<8192x128xf32> to vector<256x128xf32>
    %add3A_48 = arith.addf %add3A_46, %slice3A_47 : vector<256x128xf32>
    %slice3A_49 = vector.extract_strided_slice %convert_element_type3A {offsets = [6400, 0], sizes = [256, 128], strides = [1, 1]} : vector<8192x128xf32> to vector<256x128xf32>
    %add3A_50 = arith.addf %add3A_48, %slice3A_49 : vector<256x128xf32>
    %slice3A_51 = vector.extract_strided_slice %convert_element_type3A {offsets = [6656, 0], sizes = [256, 128], strides = [1, 1]} : vector<8192x128xf32> to vector<256x128xf32>
    %add3A_52 = arith.addf %add3A_50, %slice3A_51 : vector<256x128xf32>
    %slice3A_53 = vector.extract_strided_slice %convert_element_type3A {offsets = [6912, 0], sizes = [256, 128], strides = [1, 1]} : vector<8192x128xf32> to vector<256x128xf32>
    %add3A_54 = arith.addf %add3A_52, %slice3A_53 : vector<256x128xf32>
    %slice3A_55 = vector.extract_strided_slice %convert_element_type3A {offsets = [7168, 0], sizes = [256, 128], strides = [1, 1]} : vector<8192x128xf32> to vector<256x128xf32>
    %add3A_56 = arith.addf %add3A_54, %slice3A_55 : vector<256x128xf32>
    %slice3A_57 = vector.extract_strided_slice %convert_element_type3A {offsets = [7424, 0], sizes = [256, 128], strides = [1, 1]} : vector<8192x128xf32> to vector<256x128xf32>
    %add3A_58 = arith.addf %add3A_56, %slice3A_57 : vector<256x128xf32>
    %slice3A_59 = vector.extract_strided_slice %convert_element_type3A {offsets = [7680, 0], sizes = [256, 128], strides = [1, 1]} : vector<8192x128xf32> to vector<256x128xf32>
    %add3A_60 = arith.addf %add3A_58, %slice3A_59 : vector<256x128xf32>
    %slice3A_61 = vector.extract_strided_slice %convert_element_type3A {offsets = [7936, 0], sizes = [256, 128], strides = [1, 1]} : vector<8192x128xf32> to vector<256x128xf32>
    %add3A_62 = arith.addf %add3A_60, %slice3A_61 : vector<256x128xf32>
    %reduce_sum3A = arith.constant dense<0.000000e+00> : vector<256xf32>
    %reduce_sum3A_63 = vector.multi_reduction <add>, %add3A_62, %reduce_sum3A [1] : vector<256x128xf32> to vector<256xf32>
    %broadcast_in_dim3A = vector.shape_cast %reduce_sum3A_63 : vector<256xf32> to vector<256x1xf32>
    %iota3A = tpu.iota {dimensions = array<i32: 0>} : vector<256x256xi32>
    %iota3A_64 = tpu.iota {dimensions = array<i32: 1>} : vector<256x256xi32>
    %lt3A = arith.cmpi slt, %iota3A_64, %iota3A : vector<256x256xi32>
    %convert_element_type3A_65 = arith.extui %lt3A : vector<256x256xi1> to vector<256x256xi32>
    %convert_element_type3A_66 = arith.sitofp %convert_element_type3A_65 : vector<256x256xi32> to vector<256x256xf32>
    %dot_general3A = arith.constant dense<0.000000e+00> : vector<256x1xf32>
    %dot_general3A_67 = tpu.matmul %convert_element_type3A_66, %broadcast_in_dim3A, %dot_general3A {dimension_numbers = #tpu.dot_dimension_numbers<[1], [0], [0], [1], [0, 0, 1, 1], [], []>, precision = #tpu.contract_precision<fp32>, transpose_lhs_hint = false} : vector<256x256xf32>, vector<256x1xf32>, vector<256x1xf32> -> vector<256x1xf32>
    %iota3A_68 = tpu.iota {dimensions = array<i32: 0>} : vector<128x128xi32>
    %iota3A_69 = tpu.iota {dimensions = array<i32: 1>} : vector<128x128xi32>
    %lt3A_70 = arith.cmpi slt, %iota3A_68, %iota3A_69 : vector<128x128xi32>
    %convert_element_type3A_71 = arith.extui %lt3A_70 : vector<128x128xi1> to vector<128x128xi32>
    %convert_element_type3A_72 = arith.sitofp %convert_element_type3A_71 : vector<128x128xi32> to vector<128x128xf32>
    %dot_general3A_73 = arith.constant dense<0.000000e+00> : vector<256x128xf32>
    %dot_general3A_74 = tpu.matmul %add3A_62, %convert_element_type3A_72, %dot_general3A_73 {dimension_numbers = #tpu.dot_dimension_numbers<[1], [0], [0], [1], [0, 0, 1, 1], [], []>, precision = #tpu.contract_precision<fp32>, transpose_lhs_hint = false} : vector<256x128xf32>, vector<128x128xf32>, vector<256x128xf32> -> vector<256x128xf32>
    %add3A_75 = vector.broadcast %dot_general3A_67 : vector<256x1xf32> to vector<256x128xf32>
    %add3A_76 = arith.addf %add3A_75, %dot_general3A_74 : vector<256x128xf32>
    %add3A_77 = arith.addf %add3A_76, %add3A_62 : vector<256x128xf32>
    %get3A_78 = arith.constant 0 : index
    %get3A_79 = arith.constant 0 : index
    %get3A_80 = vector.load %arg2[%get3A_78, %get3A_79] : memref<4x16xi32, #tpu.memory_space<vmem>>, vector<4x16xi32>
    %slice3A_81 = vector.extract_strided_slice %get3A_80 {offsets = [0, 0], sizes = [1, 1], strides = [1, 1]} : vector<4x16xi32> to vector<1x1xi32>
    %reduce_sum3A_82 = vector.shape_cast %slice3A_81 : vector<1x1xi32> to vector<1x1x1xi32>
    %reduce_sum3A_83 = arith.constant dense<0> : vector<1xi32>
    %reduce_sum3A_84 = vector.multi_reduction <add>, %reduce_sum3A_82, %reduce_sum3A_83 [1, 2] : vector<1x1x1xi32> to vector<1xi32>
    %reduce_sum3A_85 = vector.shape_cast %reduce_sum3A_84 : vector<1xi32> to vector<1x1x1xi32>
    %reduce_sum3A_86 = vector.extract %reduce_sum3A_85[0, 0, 0] : i32 from vector<1x1x1xi32>
    %slice3A_87 = vector.extract_strided_slice %get3A_80 {offsets = [1, 0], sizes = [1, 1], strides = [1, 1]} : vector<4x16xi32> to vector<1x1xi32>
    %reduce_sum3A_88 = vector.shape_cast %slice3A_87 : vector<1x1xi32> to vector<1x1x1xi32>
    %reduce_sum3A_89 = arith.constant dense<0> : vector<1xi32>
    %reduce_sum3A_90 = vector.multi_reduction <add>, %reduce_sum3A_88, %reduce_sum3A_89 [1, 2] : vector<1x1x1xi32> to vector<1xi32>
    %reduce_sum3A_91 = vector.shape_cast %reduce_sum3A_90 : vector<1xi32> to vector<1x1x1xi32>
    %reduce_sum3A_92 = vector.extract %reduce_sum3A_91[0, 0, 0] : i32 from vector<1x1x1xi32>
    %convert_element_type3A_93 = arith.sitofp %reduce_sum3A_92 : i32 to f32
    %sub3A = arith.constant 8.388610e+05 : f32
    %sub3A_94 = arith.subf %sub3A, %convert_element_type3A_93 : f32
    %iota3A_95 = tpu.iota {dimensions = array<i32: 0>} : vector<256x128xi32>
    %mul3A = arith.constant 128 : i32
    %mul3A_96 = vector.broadcast %mul3A : i32 to vector<256x128xi32>
    %mul3A_97 = arith.muli %iota3A_95, %mul3A_96 : vector<256x128xi32>
    %iota3A_98 = tpu.iota {dimensions = array<i32: 1>} : vector<256x128xi32>
    %add3A_99 = arith.addi %mul3A_97, %iota3A_98 : vector<256x128xi32>
    %shift_left3A = arith.constant 17 : i32
    %shift_left3A_100 = arith.shli %reduce_sum3A_86, %shift_left3A : i32
    %shift_left3A_101 = arith.constant 2 : i32
    %shift_left3A_102 = vector.broadcast %shift_left3A_101 : i32 to vector<256x128xi32>
    %shift_left3A_103 = arith.shli %add3A_99, %shift_left3A_102 : vector<256x128xi32>
    %or3A = vector.broadcast %shift_left3A_100 : i32 to vector<256x128xi32>
    %or3A_104 = arith.ori %or3A, %shift_left3A_103 : vector<256x128xi32>
    %lt3A_105 = arith.constant 0 : i32
    %lt3A_106 = vector.broadcast %lt3A_105 : i32 to vector<256x128xi32>
    %lt3A_107 = arith.cmpi slt, %or3A_104, %lt3A_106 : vector<256x128xi32>
    %and3A = arith.constant 2147483647 : i32
    %and3A_108 = vector.broadcast %and3A : i32 to vector<256x128xi32>
    %and3A_109 = arith.andi %or3A_104, %and3A_108 : vector<256x128xi32>
    %not3A = arith.constant dense<-1> : vector<256x128xi32>
    %not3A_110 = arith.xori %or3A_104, %not3A : vector<256x128xi32>
    %select_n3A = arith.select %lt3A_107, %and3A_109, %not3A_110 : vector<256x128xi1>, vector<256x128xi32>
    %bitcast_convert_type3A = tpu.bitcast %select_n3A : vector<256x128xi32> -> vector<256x128xf32>
    %lt3A_111 = vector.broadcast %sub3A_94 : f32 to vector<256x128xf32>
    %lt3A_112 = arith.cmpf olt, %add3A_76, %lt3A_111 : vector<256x128xf32>
    %le3A = vector.broadcast %sub3A_94 : f32 to vector<256x128xf32>
    %le3A_113 = arith.cmpf ole, %le3A, %add3A_77 : vector<256x128xf32>
    %and3A_114 = arith.andi %lt3A_112, %le3A_113 : vector<256x128xi1>
    %jit3A = arith.constant 0 : i32
    %broadcast_in_dim3A_115 = vector.broadcast %jit3A : i32 to vector<256x128xi32>
    %select_n3A_116 = arith.select %and3A_114, %add3A_99, %broadcast_in_dim3A_115 : vector<256x128xi1>, vector<256x128xi32>
    %reduce_sum3A_117 = vector.shape_cast %select_n3A_116 : vector<256x128xi32> to vector<1x256x128xi32>
    %reduce_sum3A_118 = arith.constant dense<0> : vector<1xi32>
    %reduce_sum3A_119 = vector.multi_reduction <add>, %reduce_sum3A_117, %reduce_sum3A_118 [1, 2] : vector<1x256x128xi32> to vector<1xi32>
    %reduce_sum3A_120 = vector.shape_cast %reduce_sum3A_119 : vector<1xi32> to vector<1x1x1xi32>
    %reduce_sum3A_121 = vector.extract %reduce_sum3A_120[0, 0, 0] : i32 from vector<1x1x1xi32>
    %jit3A_122 = arith.constant 0.000000e+00 : f32
    %broadcast_in_dim3A_123 = vector.broadcast %jit3A_122 : f32 to vector<256x128xf32>
    %select_n3A_124 = arith.select %and3A_114, %add3A_76, %broadcast_in_dim3A_123 : vector<256x128xi1>, vector<256x128xf32>
    %reduce_sum3A_125 = vector.shape_cast %select_n3A_124 : vector<256x128xf32> to vector<1x256x128xf32>
    %reduce_sum3A_126 = arith.constant dense<0.000000e+00> : vector<1xf32>
    %reduce_sum3A_127 = vector.multi_reduction <add>, %reduce_sum3A_125, %reduce_sum3A_126 [1, 2] : vector<1x256x128xf32> to vector<1xf32>
    %reduce_sum3A_128 = vector.shape_cast %reduce_sum3A_127 : vector<1xf32> to vector<1x1x1xf32>
    %reduce_sum3A_129 = vector.extract %reduce_sum3A_128[0, 0, 0] : f32 from vector<1x1x1xf32>
    %jit3A_130 = arith.constant 0.000000e+00 : f32
    %broadcast_in_dim3A_131 = vector.broadcast %jit3A_130 : f32 to vector<256x128xf32>
    %select_n3A_132 = arith.select %and3A_114, %bitcast_convert_type3A, %broadcast_in_dim3A_131 : vector<256x128xi1>, vector<256x128xf32>
    %reduce_sum3A_133 = vector.shape_cast %select_n3A_132 : vector<256x128xf32> to vector<1x256x128xf32>
    %reduce_sum3A_134 = arith.constant dense<0.000000e+00> : vector<1xf32>
    %reduce_sum3A_135 = vector.multi_reduction <add>, %reduce_sum3A_133, %reduce_sum3A_134 [1, 2] : vector<1x256x128xf32> to vector<1xf32>
    %reduce_sum3A_136 = vector.shape_cast %reduce_sum3A_135 : vector<1xf32> to vector<1x1x1xf32>
    %reduce_sum3A_137 = vector.extract %reduce_sum3A_136[0, 0, 0] : f32 from vector<1x1x1xf32>
    %lt3A_138 = vector.broadcast %reduce_sum3A_121 : i32 to vector<256x128xi32>
    %lt3A_139 = arith.cmpi slt, %add3A_99, %lt3A_138 : vector<256x128xi32>
    %mul3A_140 = arith.mulf %add3A_62, %bitcast_convert_type3A : vector<256x128xf32>
    %jit3A_141 = arith.constant 0.000000e+00 : f32
    %broadcast_in_dim3A_142 = vector.broadcast %jit3A_141 : f32 to vector<256x128xf32>
    %select_n3A_143 = arith.select %lt3A_139, %mul3A_140, %broadcast_in_dim3A_142 : vector<256x128xi1>, vector<256x128xf32>
    %reduce_sum3A_144 = vector.shape_cast %select_n3A_143 : vector<256x128xf32> to vector<1x256x128xf32>
    %reduce_sum3A_145 = arith.constant dense<0.000000e+00> : vector<1xf32>
    %reduce_sum3A_146 = vector.multi_reduction <add>, %reduce_sum3A_144, %reduce_sum3A_145 [1, 2] : vector<1x256x128xf32> to vector<1xf32>
    %reduce_sum3A_147 = vector.shape_cast %reduce_sum3A_146 : vector<1xf32> to vector<1x1x1xf32>
    %reduce_sum3A_148 = vector.extract %reduce_sum3A_147[0, 0, 0] : f32 from vector<1x1x1xf32>
    %get3A_149 = arith.constant 0 : index
    %get3A_150 = arith.constant 0 : index
    %get3A_151 = vector.load %arg1[%get3A_149, %get3A_150] : memref<32x16xf32, #tpu.memory_space<vmem>>, vector<32x16xf32>
    %reduce_sum3A_152 = vector.shape_cast %get3A_151 : vector<32x16xf32> to vector<1x32x16xf32>
    %reduce_sum3A_153 = arith.constant dense<0.000000e+00> : vector<1xf32>
    %reduce_sum3A_154 = vector.multi_reduction <add>, %reduce_sum3A_152, %reduce_sum3A_153 [1, 2] : vector<1x32x16xf32> to vector<1xf32>
    %reduce_sum3A_155 = vector.shape_cast %reduce_sum3A_154 : vector<1xf32> to vector<1x1x1xf32>
    %reduce_sum3A_156 = vector.extract %reduce_sum3A_155[0, 0, 0] : f32 from vector<1x1x1xf32>
    %add3A_157 = arith.addf %reduce_sum3A_156, %reduce_sum3A_148 : f32
    %sub3A_158 = arith.subf %sub3A_94, %reduce_sum3A_129 : f32
    %mul3A_159 = arith.mulf %sub3A_158, %reduce_sum3A_137 : f32
    %add3A_160 = arith.addf %add3A_157, %mul3A_159 : f32
    %div3A = arith.constant 8.388610e+05 : f32
    %div3A_161 = arith.divf %add3A_160, %div3A : f32
    %neg3A = arith.constant 0.000000e+00 : f32
    %neg3A_162 = arith.subf %neg3A, %div3A_161 : f32
    %broadcast_in_dim3A_163 = vector.broadcast %neg3A_162 : f32 to vector<1x1xf32>
    %swap3A = arith.constant 0 : index
    %swap3A_164 = arith.constant 0 : index
    %swap3A_165 = vector.load %arg3[%swap3A, %swap3A_164] : memref<1x1xf32, #tpu.memory_space<vmem>>, vector<1x1xf32>
    tpu.vector_store %arg3[%swap3A, %swap3A_164], %broadcast_in_dim3A_163 {strides = array<i32>} : memref<1x1xf32, #tpu.memory_space<vmem>>, vector<1x1xf32>,
    return
  }
}

</mosaic_0001>

<sc_bundles>
// kernel: kernel.6.cloned.1.call-start
scs
__scs_entry_jumppad:
0x0: {  	(pc) =	sbr.rel $0x88, $3  }
0x1: {  	(tag) =	ssettag $0x0;
	lr =	simm.s32 $0x1  }
0x2: {  	[smem:$0x3FA0] =	sst lr;
	_ =	strace $0xD0000000  }
0x3: {  	_ = 	snop  }
0x4: {  	_ = 	snop  }
0x5: {  	_ = 	snop  }
0x6: {  	_ = 	snop  }
0x7: {  	_ = 	snop  }
__scs_overlays_trampoline_lowered:
0x8: {  	[smem:$0x3FAF] =	sst s0  }
0x9: {  	[smem:$0x3FB0] =	sst s1  }
0xa: {  	[smem:$0x3FB1] =	sst s2  }
0xb: {  	[smem:$0x3FB2] =	sst s3  }
0xc: {  	[smem:$0x3FB3] =	sst s4  }
0xd: {  	[smem:$0x3FB4] =	sst s5  }
0xe: {  	[smem:$0x3FB5] =	sst s6  }
0xf: {  	[smem:$0x3FB6] =	sst s7  }
0x10: {  	[smem:$0x3FB7] =	sst s8  }
0x11: {  	[smem:$0x3FB8] =	sst s9;
	s0 =	simm.s32 @!p0 $0x0  }
0x12: {  	s1 =	sld [smem:$0x3F9E];
	s0 =	simm.s32 @p0 $0x1  }
0x13: {  	[smem:$0x3FB9] =	sst s0;
	s0 =	simm.s32 @!p1 $0x0  }
0x14: {  	s2 =	sld [smem:$0x3F9D];
	s0 =	simm.s32 @p1 $0x1  }
0x15: {  	[smem:$0x3FBA] =	sst s0;
	s0 =	simm.s32 @!p2 $0x0  }
0x16: {  	s3 =	sld [smem:$0x3FDB];
	s0 =	simm.s32 @p2 $0x1  }
0x17: {  	s4 =	simm.s32 $0x1BF5;
	[smem:$0x3FBC] =	sst s0  }
0x18: {  	s0 =	sld [smem:$0x3F9F];
	_ =	swait.ge [sflag:s4], $0x0  }
0x19: {  	s7 =	sld [smem:$0x3FA0]  }
0x1a: {  	s8 =	sadd.s32 $0xFFFFE003, lr  }
0x1b: {  	s9 =	sadd.s32 $0xFFFFFEF7, lr;
	s5 =	simm.s32 $0xFFFFFFFF;
	p2 =	slt.u32 s8, $0xFFFFF086  }
0x1c: {  	p1 =	slt.u32 s9, $0xF7A;
	s5 =	simm.s32 @!p2 $0x0  }
0x1d: {  	s5 =	simm.s32 @p1 $0x1;
	p0 =	seq.s32 s7, s2  }
0x1e: {  	s7 =	smul.u32 @!p0 $0xF7A, s2;
	p2 =	seq.s32 @!p0 s5, $0x0  }
0x1f: {  	s9 =	smul.u32 $0xF7A, s1;
	s8 =	simm.s32 @!p0 $0x1BF5;
	p2 =	por !p2, p0  }
0x20: {  	[sflag:s8] =	ssyncset.s32 @!p0 $0xFFFFF086;
	s6 =	sadd.s32 @!p0 s3, s7;
	s7 =	simm.s32 @!p0 $0x108  }
0x21: {  	s3 =	sadd.s32 s3, s9;
	s6 =	sadd.s32 @!p0 $0x88, s6;
	s7 =	simm.s32 @p2 $0x1082  }
0x22: {  	[simem:s7], [sflag:s8] =	dma.local @!p0 [hbm:s6], $0xF7A  }
0x23: {  	s9 =	sor.u32 $0xD0000000, s2;
	s6 =	simm.s32 $0x108;
	_ =	swait.ge @!p0 [sflag:s8], $0x0  }
0x24: {  	s3 =	sadd.s32 $0x88, s3;
	s6 =	simm.s32 @!p1 $0x1082;
	[sflag:s4] =	ssyncset.s32 $0xFFFFF086  }
0x25: {  	[simem:s6], [sflag:s4] =	dma.local [hbm:s3], $0xF7A  }
0x26: {  	[smem:$0x3FA0] =	sst s1;
	(tag) =	ssettag s2;
	_ =	strace s9  }
0x27: {  	s1 =	sld [smem:$0x3FB0]  }
0x28: {  	s2 =	sld [smem:$0x3FB1]  }
0x29: {  	s4 =	sld [smem:$0x3FB3]  }
0x2a: {  	p0 =	seq.s32 s5, $0x0;
	s5 =	sld [smem:$0x3FB4]  }
0x2b: {  	s6 =	sld [smem:$0x3FB5]  }
0x2c: {  	s7 =	sld [smem:$0x3FB6]  }
0x2d: {  	s3 =	simm.s32 $0x108;
	s8 =	sld [smem:$0x3FB7]  }
0x2e: {  	s3 =	simm.s32 @!p0 $0x1082;
	s9 =	sld [smem:$0x3FB8]  }
0x2f: {  	lr =	sadd.s32 s0, s3;
	s0 =	sld [smem:$0x3FAF]  }
0x30: {  	s3 =	sld [smem:$0x3FB2]  }
0x31: {  	[smem:$0x3FBB] =	sst s10  }
0x32: {  	s10 =	sld [smem:$0x3FB9];
	_ =	sdelay $0x3  }
0x33: {  	p0 =	seq.s32 s10, $0x1;
	s10 =	sld [smem:$0x3FBB];
	_ =	sdelay $0x3  }
0x34: {  	[smem:$0x3FBB] =	sst s10  }
0x35: {  	s10 =	sld [smem:$0x3FBA];
	_ =	sdelay $0x3  }
0x36: {  	p1 =	seq.s32 s10, $0x1;
	s10 =	sld [smem:$0x3FBB];
	_ =	sdelay $0x3  }
0x37: {  	[smem:$0x3FBB] =	sst s10  }
0x38: {  	s10 =	sld [smem:$0x3FBC]  }
0x39: {  	_ = 	snop;
	(pc) =	sbr.ind lr, $3  }
0x3a: {  	_ = 	snop  }
0x3b: {  	_ = 	snop  }
0x3c: {  	p2 =	seq.s32 s10, $0x1;
	s10 =	sld [smem:$0x3FBB]  }
0x3d: {  	_ =	shalt  }
0x3e: {  	_ =	shalt  }
0x3f: {  	_ =	shalt  }
0x40: {  	_ =	shalt  }
0x41: {  	_ =	shalt  }
0x42: {  	_ =	shalt  }
0x43: {  	_ =	shalt  }
0x44: {  	_ =	shalt  }
0x45: {  	_ =	shalt  }
0x46: {  	_ =	shalt  }
0x47: {  	_ =	shalt  }
0x48: {  	_ =	shalt  }
0x49: {  	_ =	shalt  }
0x4a: {  	_ =	shalt  }
0x4b: {  	_ =	shalt  }
0x4c: {  	_ =	shalt  }
0x4d: {  	_ =	shalt  }
0x4e: {  	_ =	shalt  }
0x4f: {  	_ =	shalt  }
0x50: {  	_ =	shalt  }
0x51: {  	_ =	shalt  }
0x52: {  	_ =	shalt  }
0x53: {  	_ =	shalt  }
0x54: {  	_ =	shalt  }
0x55: {  	_ =	shalt  }
0x56: {  	_ =	shalt  }
0x57: {  	_ =	shalt  }
0x58: {  	_ =	shalt  }
0x59: {  	_ =	shalt  }
0x5a: {  	_ =	shalt  }
0x5b: {  	_ =	shalt  }
0x5c: {  	_ =	shalt  }
0x5d: {  	_ =	shalt  }
0x5e: {  	_ =	shalt  }
0x5f: {  	_ =	shalt  }
0x60: {  	_ =	shalt  }
0x61: {  	_ =	shalt  }
0x62: {  	_ =	shalt  }
0x63: {  	_ =	shalt  }
0x64: {  	_ =	shalt  }
0x65: {  	_ =	shalt  }
0x66: {  	_ =	shalt  }
0x67: {  	_ =	shalt  }
0x68: {  	_ =	shalt  }
0x69: {  	_ =	shalt  }
0x6a: {  	_ =	shalt  }
0x6b: {  	_ =	shalt  }
0x6c: {  	_ =	shalt  }
0x6d: {  	_ =	shalt  }
0x6e: {  	_ =	shalt  }
0x6f: {  	_ =	shalt  }
0x70: {  	_ =	shalt  }
0x71: {  	_ =	shalt  }
0x72: {  	_ =	shalt  }
0x73: {  	_ =	shalt  }
0x74: {  	_ =	shalt  }
0x75: {  	_ =	shalt  }
0x76: {  	_ =	shalt  }
0x77: {  	_ =	shalt  }
0x78: {  	_ =	shalt  }
0x79: {  	_ =	shalt  }
0x7a: {  	_ =	shalt  }
0x7b: {  	_ =	shalt  }
0x7c: {  	_ =	shalt  }
0x7d: {  	_ =	shalt  }
0x7e: {  	_ =	shalt  }
0x7f: {  	_ =	shalt  }
0x80: {  	_ =	shalt  }
0x81: {  	_ =	shalt  }
0x82: {  	_ =	shalt  }
0x83: {  	_ =	shalt  }
0x84: {  	_ =	shalt  }
0x85: {  	_ =	shalt  }
0x86: {  	_ =	shalt  }
0x87: {  	_ =	shalt  }
.Lfunc_end0:
.L_simem_size_0:
called_computation_lowered:
.L_overlay_start_0:
0x88: {  	s2 =	sld [smem:$0x3FD9]  }
0x89: {  	s3 =	sld [smem:$0x3FFE];
	_ =	sdelay $0x1  }
0x8a: {  	s1 =	srdreg.scid  }
0x8b: {  	s0 =	sand.u32 $0x1, s1  }
0x8c: {  	s17 =	sshll.u32 s0, $0xA;
	s2 =	sadd.s32 s3, s2  }
0x8d: {  	s2 =	sadd.s32 s2, s17  }
0x8e: {  	[smem:$0x3FC7] =	sst s2  }
0x8f: {  	_ = 	snop  }
0x90: {  	s2 =	sld [smem:$0x3FC9];
	(tm) =	ssettm $0x1  }
0x91: {  	s18 =	sld [smem:$0x3FFB];
	_ =	sdelay $0x3  }
0x92: {  	_ =	strace s18  }
0x93: {  	s3 =	sld [smem:$0x3FFC];
	_ =	sdelay $0x3  }
0x94: {  	_ =	strace s3  }
0x95: {  	s3 =	sld [smem:$0x3FFD];
	_ =	sdelay $0x3  }
0x96: {  	_ =	strace s3  }
0x97: {  	_ =	strace $0x8FFFFFFF  }
0x98: {  	s19 =	sld [smem:$0x3FDB];
	_ =	sdelay $0x1  }
0x99: {  	s4 =	simm.s32 $_scs_section_size  }
0x9a: {  	s5 =	simm.s32 $_size__tile_overlayer_lowered;
	s6 =	simm.s32 $_tile_overlayer_lowered  }
0x9b: {  	s22 =	simm.s32 $0x1BFF;
	s21 =	sshll.u32 s6, $0x1;
	s3 =	sadd.s32 s4, s19  }
0x9c: {  	s7 =	simm.s32 $0x0;
	s20 =	sshll.u32 s5, $0x1;
	s5 =	sadd.s32 s21, s3  }
0x9d: {  	[timem:s7], [sflag:s22] =	dma.local [hbm:s5], s20  }
0x9e: {  	_ =	swait.ge [sflag:s22], s20  }
0x9f: {  	s4 =	ssub.s32 $0x0, s20;
	[sflag:s22] =	ssyncset.done $0x0  }
0xa0: {  	[sflag:s22] =	ssyncadd.s32 s4;
	_ =	sdelay $0x1  }
0xa1: {  	s23 =	simm.s32 $0x1B8B  }
0xa2: {  	_ =	swait.ge [sflag:s23], $0x1  }
0xa3: {  	[sflag:s23] =	ssyncset.done $0x0  }
0xa4: {  	s25 =	simm.s32 $0x1B8E;
	s24 =	sld [smem:$0x3FFE];
	[sflag:s23] =	ssyncadd.s32 $0xFFFFFFFF  }
0xa5: {  	s26 =	simm.s32 $execute0_lowered;
	[smem:$0x3FD2] =	sst s25  }
0xa6: {  	s5 =	sshll.u32 s26, $0x1;
	_ =	strace $0x80000046;
	[dreg:$0x1] =	wrdreg $0xFFFFFFFF  }
0xa7: {  	s28 =	simm.s32 $_size_execute0_lowered;
	s3 =	sadd.s32 s3, s5;
	[dreg:$0x0] =	wrdreg $0x0  }
0xa8: {  	s5 =	sshll.u32 s28, $0x1;
	[dreg:$0x2] =	wrdreg s3  }
0xa9: {  	[dreg:$0x3] =	wrdreg s5  }
0xaa: {  	[dreg:$0x4] =	wrdreg $0xC0  }
0xab: {  	_ =	task [dreg:s7], $0x5FFFF  }
0xac: {  	[dreg:$0x1] =	wrdreg $0xFFFFFFFF  }
0xad: {  	[dreg:$0x0] =	wrdreg $0x60  }
0xae: {  	[dreg:$0x2] =	wrdreg s2  }
0xaf: {  	[dreg:$0x3] =	wrdreg s24  }
0xb0: {  	[dreg:$0x4] =	wrdreg $0x9  }
0xb1: {  	_ =	task.clear_ibuf [dreg:s7], $0x5FFFF;
	_ =	strace $0x90000046  }
0xb2: {  	s29 =	simm.s32 $0x9;
	_ =	strace $0x80000048  }
0xb3: {  	_ =	swait.ge [sflag:s29], $0x1  }
0xb4: {  	[sflag:s29] =	ssyncadd.s32 $0xFFFFFFFF  }
0xb5: {  	_ =	strace $0x90000048  }
0xb6: {  	_ =	sfence  }
0xb7: {  	s30 =	sld [smem:$0x0];
	_ =	sdelay $0x2  }
0xb8: {  	s31 =	sshll.u32 s1, $0xD;
	s1 =	sshrl.u32 s1, $0x2  }
0xb9: {  	s3 =	sand.u32 $0x4000, s31;
	s1 =	sadd.s32 s1, s30  }
0xba: {  	s0 =	sor.u32 s3, s0;
	s1 =	sshll.u32 s1, $0x11  }
0xbb: {  	s0 =	sor.u32 s1, s0  }
0xbc: {  	s0 =	sadd.s32 $0x8F2B, s0  }
0xbd: {  	[sflag:s0] =	ssyncadd.remote.s32 $0x1  }
0xbe: {  	_ =	sfence.sel $0xFFFF  }
0xbf: {  	[dreg:$0x0] =	wrdreg $0xFFFFFFFF;
	(pc) =	sbr.abs _section_cstart, $3  }
0xc0: {  	[dreg:$0x1] =	wrdreg $0xFFFFFFFF  }
0xc1: {  	_ =	task.clear_ibuf [dreg:s7], $0x2FFFF;
	_ =	strace $0x9FFFFFFF  }
0xc2: {  	(tm) =	ssettm $0x7FFFFFFF  }
0xc3: {  	_ =	shalt  }
tec
execute0_lowered:
.L_overlay_start_1:
0x0: {  	(tag) =	ssettag $0x1  }
0x1: {  	s1 =	rddreg [dreg:$0x0]  }
0x2: {  	s5 =	rddreg [dreg:$0x1]  }
0x3: {  	s0 =	rddreg [dreg:$0x2];
	s3 =	simm.s32 $0x0;
	s4 =	srdreg.scid  }
0x4: {  	s2 =	stileid.u32;
	s11 =	simm.s32 $0x8000;
	s12 =	simm.s32 $0x10000  }
0x5: {  	s13 =	simm.s32 $0x1;
	s14 =	simm.s32 $0x2;
	s15 =	simm.s32 $0x0  }
0x6: {  	[smem:$0x7FF] =	sst s3;
	s6 =	sand.u32 $0x1, s4;
	s30 =	sshll.u32 s2, $0x1  }
0x7: {  	s4 =	sadd.s32 $0x1600, s5;
	s7 =	sor.u32 s6, s30;
	s6 =	ssub.s32 $0x2, s6  }
0x8: {  	_ =	strace $0x80000047;
	s8 =	sshll.u32 s7, $0xC;
	s31 =	sshrl.u32 s6, $0x1  }
0x9: {  	s9 =	sshll.u32 s7, $0x10;
	s8 =	sadd.s32 s8, s5;
	s5 =	sshll.u32 s7, $0x13  }
0xa: {  	s10 =	ssub.s32 s6, s31;
	s6 =	sadd.s32 s1, s9;
	s7 =	sor.u32 $0x10000, s5  }
0xb: {  	v0 =	vimm.s32 $0x1;
	s8 =	sadd.s32 $0x2600, s8;
	s9 =	smax.u32 s10, $0x1;
	s10 =	simm.s32 $0x3  }
.LBB2_1:
0xc: {  	[tilespmem:s3], [sflag:$0x3] =	stream.linear.gather [hbm4b:s4+s3], $0x8000, $0x38;
	[tilespmem:$0x18000] =	vst v63  }
0xd: {  	_ =	swait.ge [sflag:s10], $0x8000  }
0xe: {  	[sflag:s10] =	ssyncset.done $0x0  }
0xf: {  	s16 =	simm.s32 $0x0;
	[sflag:s10] =	ssyncadd.s32 $0xFFFF8000  }
0x10: {  	[tilespmem:s11], [sflag:$0x1] =	stream.linear.gather [hbm4b:s6+s3], $0x8000, $0x38;
	[tilespmem:$0x18000] =	vst v63  }
.LBB2_2:
0x11: {  	s17 =	sshll.u32 s16, $0x10  }
0x12: {  	s18 =	sor.u32 s17, s5  }
0x13: {  	s18 =	sshrl.u32 s18, $0x3  }
0x14: {  	s18 =	sadd.s32 s18, s1  }
0x15: {  	s18 =	sadd.s32 $0x1000, s18  }
0x16: {  	[tilespmem:s12], [sflag:$0x2] =	stream.linear.gather [hbm4b:s18+s3], $0x8000, $0x38;
	[tilespmem:$0x18000] =	vst v63  }
0x17: {  	_ =	swait.ge [sflag:s13], $0x8000  }
0x18: {  	[sflag:s13] =	ssyncset.done $0x0  }
0x19: {  	s31 =	simm.s32 $0x8040;
	[sflag:s13] =	ssyncadd.s32 $0xFFFF8000  }
0x1a: {  	v1 =	vld [tilespmem:s31+$0x30]  }
0x1b: {  	v2 =	vld [tilespmem:s31+$0xFFFFFFD0]  }
0x1c: {  	v3 =	vld [tilespmem:s31+$0xFFFFFFE0]  }
0x1d: {  	v4 =	vld [tilespmem:s31+$0xFFFFFFF0]  }
0x1e: {  	v5 =	vld [tilespmem:s31+$0x0]  }
0x1f: {  	v6 =	vld [tilespmem:s31+$0x10]  }
0x20: {  	v9 =	vld [tilespmem:s31+$0x20]  }
0x21: {  	v10 =	vld [tilespmem:s31+$0xFFFFFFC0];
	_ =	sdelay $0x2  }
0x22: {  	v7 =	vshra.s32 v1, $0x1F;
	v8 =	vshra.s32 v2, $0x1F;
	v11 =	vshra.s32 v3, $0x1F  }
0x23: {  	v59 =	vshra.s32 v4, $0x1F;
	v60 =	vshra.s32 v5, $0x1F;
	v61 =	vshra.s32 v6, $0x1F  }
0x24: {  	v62 =	vshra.s32 v9, $0x1F;
	v12 =	vshra.s32 v10, $0x1F;
	v7 =	vor.u32 $0x80000000, v7  }
0x25: {  	v8 =	vor.u32 $0x80000000, v8;
	v63 =	vor.u32 $0x80000000, v12;
	v1 =	vxor.u32 v1, v7  }
0x26: {  	v7 =	vor.u32 $0x80000000, v11;
	v2 =	vxor.u32 v2, v8;
	v1 =	vshrl.u32 v1, $0x11  }
0x27: {  	v8 =	vor.u32 $0x80000000, v59;
	v3 =	vxor.u32 v3, v7;
	v7 =	vor.u32 $0x80000000, v60  }
0x28: {  	v8 =	vxor.u32 v4, v8;
	v4 =	vor.u32 $0x80000000, v61;
	v13 =	vxor.u32 v5, v7  }
0x29: {  	v5 =	vor.u32 $0x80000000, v62;
	v7 =	vxor.u32 v6, v4;
	v4 =	vshrl.u32 v2, $0x11  }
0x2a: {  	v2 =	vshrl.u32 v3, $0x11;
	v6 =	vxor.u32 v9, v5;
	v5 =	vxor.u32 v10, v63  }
0x2b: {  	s19 =	simm.s32 $0x80C0;
	s18 =	simm.s32 $0x0;
	v3 =	vshrl.u32 v8, $0x11;
	v5 =	vshrl.u32 v5, $0x11;
	[tilespmem:v1+s3+$0x0] =	vst.idx.add.s32.msk $0xffff, v0;
	v1 =	vshrl.u32 v13, $0x11  }
.LBB2_3:
0x2c: {  	v8 =	vld [tilespmem:s19+$0x30];
	s18 =	sadd.s32 $0x8, s18;
	v9 =	vshrl.u32 v7, $0x11;
	v10 =	vshrl.u32 v6, $0x11  }
0x2d: {  	v6 =	vld [tilespmem:s19+$0xFFFFFFD0];
	p0 =	slt.u32 s18, $0x7F8  }
0x2e: {  	v7 =	vld [tilespmem:s19+$0xFFFFFFE0]  }
0x2f: {  	v11 =	vld [tilespmem:s19+$0xFFFFFFF0]  }
0x30: {  	v12 =	vld [tilespmem:s19+$0x0]  }
0x31: {  	v13 =	vld [tilespmem:s19+$0x10];
	v14 =	vshra.s32 v8, $0x1F  }
0x32: {  	v15 =	vshra.s32 v6, $0x1F;
	v16 =	vld [tilespmem:s19+$0x20];
	v14 =	vor.u32 $0x80000000, v14  }
0x33: {  	v17 =	vld [tilespmem:s19+$0xFFFFFFC0];
	v15 =	vor.u32 $0x80000000, v15;
	v18 =	vshra.s32 v7, $0x1F;
	v8 =	vxor.u32 v8, v14  }
0x34: {  	v14 =	vor.u32 $0x80000000, v18;
	v18 =	vshra.s32 v11, $0x1F;
	v8 =	vshrl.u32 v8, $0x11;
	[tilespmem:v5+s3+$0x0] =	vst.idx.add.s32.msk $0xffff, v0  }
0x35: {  	v5 =	vxor.u32 v6, v15;
	v6 =	vor.u32 $0x80000000, v18;
	v15 =	vshra.s32 v12, $0x1F;
	[tilespmem:v4+s3+$0x0] =	vst.idx.add.s32.msk $0xffff, v0  }
0x36: {  	v14 =	vxor.u32 v7, v14;
	v4 =	vor.u32 $0x80000000, v15;
	v7 =	vshra.s32 v13, $0x1F;
	[tilespmem:v2+s3+$0x0] =	vst.idx.add.s32.msk $0xffff, v0  }
.Ltmp0:
0x37: {  	v11 =	vxor.u32 v11, v6;
	v2 =	vor.u32 $0x80000000, v7;
	v6 =	vshra.s32 v16, $0x1F;
	[tilespmem:v3+s3+$0x0] =	vst.idx.add.s32.msk $0xffff, v0;
	(pc) =	sbr.rel @p0 .LBB2_3-.Ltmp0, $4  }
0x38: {  	v12 =	vxor.u32 v12, v4;
	v3 =	vshra.s32 v17, $0x1F;
	v4 =	vor.u32 $0x80000000, v6;
	[tilespmem:v1+s3+$0x0] =	vst.idx.add.s32.msk $0xffff, v0  }
0x39: {  	v7 =	vxor.u32 v13, v2;
	v1 =	vor.u32 $0x80000000, v3;
	v6 =	vxor.u32 v16, v4;
	[tilespmem:v8+s3+$0x0] =	vst.idx.add.s32.msk $0xffff, v0  }
0x3a: {  	v2 =	vshrl.u32 v14, $0x11;
	v4 =	vshrl.u32 v5, $0x11;
	v1 =	vxor.u32 v17, v1;
	[tilespmem:v9+s3+$0x0] =	vst.idx.add.s32.msk $0xffff, v0  }
0x3b: {  	s19 =	sadd.s32 $0x80, s19;
	v3 =	vshrl.u32 v11, $0x11;
	v5 =	vshrl.u32 v1, $0x11;
	v1 =	vshrl.u32 v12, $0x11;
	[tilespmem:v10+s3+$0x0] =	vst.idx.add.s32.msk $0xffff, v0  }
0x3c: {  	_ =	sdelay $0x3  }
0x3d: {  	v7 =	vshrl.u32 v7, $0x11;
	[tilespmem:v5+s3+$0x0] =	vst.idx.add.s32.msk $0xffff, v0  }
0x3e: {  	v5 =	vshrl.u32 v6, $0x11;
	[tilespmem:v4+s3+$0x0] =	vst.idx.add.s32.msk $0xffff, v0  }
0x3f: {  	[tilespmem:v2+s3+$0x0] =	vst.idx.add.s32.msk $0xffff, v0  }
0x40: {  	[tilespmem:v3+s3+$0x0] =	vst.idx.add.s32.msk $0xffff, v0;
	p0 =	seq.s32 s16, $0x7  }
0x41: {  	[tilespmem:v1+s3+$0x0] =	vst.idx.add.s32.msk $0xffff, v0;
	s17 =	sadd.s32 @!p0 s17, s7  }
0x42: {  	s17 =	sshrl.u32 @!p0 s17, $0x3;
	[tilespmem:v7+s3+$0x0] =	vst.idx.add.s32.msk $0xffff, v0  }
0x43: {  	s18 =	simm.s32 @!p0 $0x0;
	s19 =	simm.s32 @!p0 $0x8000;
	s17 =	sadd.s32 @!p0 s1, s17;
	[tilespmem:v5+s3+$0x0] =	vst.idx.add.s32.msk $0xffff, v0  }
0x44: {  	[tilespmem:s19], [sflag:$0x1] =	stream.linear.gather @!p0 [hbm4b:s17+s18], $0x8000, $0x38;
	[tilespmem:$0x18000] =	vst v63  }
0x45: {  	_ =	swait.ge [sflag:s14], $0x8000  }
0x46: {  	[sflag:s14] =	ssyncset.done $0x0  }
0x47: {  	s31 =	simm.s32 $0x10040;
	[sflag:s14] =	ssyncadd.s32 $0xFFFF8000  }
0x48: {  	v1 =	vld [tilespmem:s31+$0x30]  }
0x49: {  	v2 =	vld [tilespmem:s31+$0xFFFFFFD0]  }
0x4a: {  	v3 =	vld [tilespmem:s31+$0xFFFFFFE0]  }
0x4b: {  	v4 =	vld [tilespmem:s31+$0xFFFFFFF0]  }
0x4c: {  	v5 =	vld [tilespmem:s31+$0x0]  }
0x4d: {  	v6 =	vld [tilespmem:s31+$0x10]  }
0x4e: {  	v9 =	vld [tilespmem:s31+$0x20]  }
0x4f: {  	v10 =	vld [tilespmem:s31+$0xFFFFFFC0];
	_ =	sdelay $0x2  }
0x50: {  	v7 =	vshra.s32 v1, $0x1F;
	v8 =	vshra.s32 v2, $0x1F;
	v11 =	vshra.s32 v3, $0x1F  }
0x51: {  	v59 =	vshra.s32 v4, $0x1F;
	v60 =	vshra.s32 v5, $0x1F;
	v61 =	vshra.s32 v6, $0x1F  }
0x52: {  	v62 =	vshra.s32 v9, $0x1F;
	v12 =	vshra.s32 v10, $0x1F;
	v7 =	vor.u32 $0x80000000, v7  }
0x53: {  	v8 =	vor.u32 $0x80000000, v8;
	v63 =	vor.u32 $0x80000000, v12;
	v1 =	vxor.u32 v1, v7  }
0x54: {  	v7 =	vor.u32 $0x80000000, v11;
	v2 =	vxor.u32 v2, v8;
	v1 =	vshrl.u32 v1, $0x11  }
0x55: {  	v8 =	vor.u32 $0x80000000, v59;
	v3 =	vxor.u32 v3, v7;
	v7 =	vor.u32 $0x80000000, v60  }
0x56: {  	v8 =	vxor.u32 v4, v8;
	v4 =	vor.u32 $0x80000000, v61;
	v13 =	vxor.u32 v5, v7  }
0x57: {  	v5 =	vor.u32 $0x80000000, v62;
	v7 =	vxor.u32 v6, v4;
	v4 =	vshrl.u32 v2, $0x11  }
0x58: {  	v2 =	vshrl.u32 v3, $0x11;
	v6 =	vxor.u32 v9, v5;
	v5 =	vxor.u32 v10, v63  }
0x59: {  	s17 =	simm.s32 $0x0;
	s18 =	simm.s32 $0x100C0;
	v3 =	vshrl.u32 v8, $0x11;
	v5 =	vshrl.u32 v5, $0x11;
	[tilespmem:v1+s3+$0x0] =	vst.idx.add.s32.msk $0xffff, v0;
	v1 =	vshrl.u32 v13, $0x11  }
.LBB2_5:
0x5a: {  	v8 =	vld [tilespmem:s18+$0x30];
	s17 =	sadd.s32 $0x8, s17;
	v9 =	vshrl.u32 v7, $0x11;
	v10 =	vshrl.u32 v6, $0x11  }
0x5b: {  	v6 =	vld [tilespmem:s18+$0xFFFFFFD0];
	p0 =	slt.u32 s17, $0x7F8  }
0x5c: {  	v7 =	vld [tilespmem:s18+$0xFFFFFFE0]  }
0x5d: {  	v11 =	vld [tilespmem:s18+$0xFFFFFFF0]  }
0x5e: {  	v12 =	vld [tilespmem:s18+$0x0]  }
0x5f: {  	v13 =	vld [tilespmem:s18+$0x10];
	v14 =	vshra.s32 v8, $0x1F  }
0x60: {  	v15 =	vshra.s32 v6, $0x1F;
	v16 =	vld [tilespmem:s18+$0x20];
	v14 =	vor.u32 $0x80000000, v14  }
0x61: {  	v17 =	vld [tilespmem:s18+$0xFFFFFFC0];
	v15 =	vor.u32 $0x80000000, v15;
	v18 =	vshra.s32 v7, $0x1F;
	v8 =	vxor.u32 v8, v14  }
0x62: {  	v14 =	vor.u32 $0x80000000, v18;
	v18 =	vshra.s32 v11, $0x1F;
	v8 =	vshrl.u32 v8, $0x11;
	[tilespmem:v5+s3+$0x0] =	vst.idx.add.s32.msk $0xffff, v0  }
0x63: {  	v5 =	vxor.u32 v6, v15;
	v6 =	vor.u32 $0x80000000, v18;
	v15 =	vshra.s32 v12, $0x1F;
	[tilespmem:v4+s3+$0x0] =	vst.idx.add.s32.msk $0xffff, v0  }
0x64: {  	v14 =	vxor.u32 v7, v14;
	v4 =	vor.u32 $0x80000000, v15;
	v7 =	vshra.s32 v13, $0x1F;
	[tilespmem:v2+s3+$0x0] =	vst.idx.add.s32.msk $0xffff, v0  }
.Ltmp1:
0x65: {  	v11 =	vxor.u32 v11, v6;
	v2 =	vor.u32 $0x80000000, v7;
	v6 =	vshra.s32 v16, $0x1F;
	[tilespmem:v3+s3+$0x0] =	vst.idx.add.s32.msk $0xffff, v0;
	(pc) =	sbr.rel @p0 .LBB2_5-.Ltmp1, $4  }
0x66: {  	v12 =	vxor.u32 v12, v4;
	v3 =	vshra.s32 v17, $0x1F;
	v4 =	vor.u32 $0x80000000, v6;
	[tilespmem:v1+s3+$0x0] =	vst.idx.add.s32.msk $0xffff, v0  }
0x67: {  	v7 =	vxor.u32 v13, v2;
	v1 =	vor.u32 $0x80000000, v3;
	v6 =	vxor.u32 v16, v4;
	[tilespmem:v8+s3+$0x0] =	vst.idx.add.s32.msk $0xffff, v0  }
0x68: {  	v2 =	vshrl.u32 v14, $0x11;
	v4 =	vshrl.u32 v5, $0x11;
	v1 =	vxor.u32 v17, v1;
	[tilespmem:v9+s3+$0x0] =	vst.idx.add.s32.msk $0xffff, v0  }
0x69: {  	s18 =	sadd.s32 $0x80, s18;
	v3 =	vshrl.u32 v11, $0x11;
	v5 =	vshrl.u32 v1, $0x11;
	v1 =	vshrl.u32 v12, $0x11;
	[tilespmem:v10+s3+$0x0] =	vst.idx.add.s32.msk $0xffff, v0  }
0x6a: {  	_ =	sdelay $0x3  }
0x6b: {  	v7 =	vshrl.u32 v7, $0x11;
	[tilespmem:v5+s3+$0x0] =	vst.idx.add.s32.msk $0xffff, v0;
	s16 =	sadd.s32 $0x1, s16  }
0x6c: {  	v63 =	vshrl.u32 v6, $0x11;
	[tilespmem:v4+s3+$0x0] =	vst.idx.add.s32.msk $0xffff, v0;
	p0 =	sne.s32 s16, $0x8  }
.Ltmp2:
0x6d: {  	[tilespmem:v2+s3+$0x0] =	vst.idx.add.s32.msk $0xffff, v0;
	(pc) =	sbr.rel @p0 .LBB2_2-.Ltmp2, $4  }
0x6e: {  	[tilespmem:v3+s3+$0x0] =	vst.idx.add.s32.msk $0xffff, v0  }
0x6f: {  	[tilespmem:v1+s3+$0x0] =	vst.idx.add.s32.msk $0xffff, v0  }
0x70: {  	[tilespmem:v7+s3+$0x0] =	vst.idx.add.s32.msk $0xffff, v0  }
0x71: {  	[tilespmem:v63+s3+$0x0] =	vst.idx.add.s32.msk $0xffff, v0  }
0x72: {  	s15 =	sadd.s32 $0x1, s15  }
0x73: {  	p0 =	sne.s32 s15, s9  }
.Ltmp3:
0x74: {  	_ = 	snop;
	(pc) =	sbr.rel @p0 .LBB2_1-.Ltmp3, $4  }
0x75: {  	[hbm4b:s8+s3] =	stream.linear.scatter [tilespmem:s3], [sflag:$0x3], $0x8000, $0x38;
	[tilespmem:$0x18000] =	vst v63  }
0x76: {  	_ =	swait.ge [sflag:s10], $0x8000  }
0x77: {  	[sflag:s10] =	ssyncset.done $0x0  }
0x78: {  	[sflag:s10] =	ssyncadd.s32 $0xFFFF8000  }
0x79: {  	_ =	sfence.sel $0x180000  }
0x7a: {  	[bflag:$0x0] =	sbarrier.arrive $0xFFFF  }
0x7b: {  	p0 =	sne.s32 s2, $0x0;
	_ =	strace $0x90000047  }
0x7c: {  	s0 =	sadd.s32 @!p0 $0x100000, s0;
	[bflag:$0x2] =	sbarrier.arrive $0xFFFF  }
0x7d: {  	[sflag:s0] =	ssyncadd.tile.s32 @!p0 $0x1;
	_ =	shalt  }
.Lfunc_end2:
_tile_overlayer_lowered:
.L_overlay_start_2:
0x7e: {  	(tag) =	ssettag $0x2  }
0x7f: {  	s0 =	rddreg [dreg:$0x0];
	s2 =	stileid.u32  }
0x80: {  	s1 =	rddreg [dreg:$0x1];
	p0 =	sne.s32 s2, $0x0  }
0x81: {  	s3 =	rddreg [dreg:$0x2];
	[bflag:$0x3] =	sbarrier.arrive $0xFFFF;
	s2 =	simm.s32 @!p0 $0x1C03  }
0x82: {  	[timem:s3], [sflag:s2] =	dma.local @!p0 [hbm:s0], s1  }
0x83: {  	s0 =	simm.s32 @!p0 $0x3  }
0x84: {  	_ =	swait.ge @!p0 [sflag:s0], s1  }
0x85: {  	s1 =	ssub.s32 @!p0 $0x0, s1;
	[sflag:s0] =	ssyncset.done @!p0 $0x0  }
0x86: {  	[sflag:s0] =	ssyncadd.s32 @!p0 s1  }
0x87: {  	[bflag:$0x3] =	sbarrier.arrive $0xFFFF  }
0x88: {  	_ =	shalt  }

// kernel: kernel.9.cloned.1.call-start
scs
__scs_entry_jumppad:
0x0: {  	(pc) =	sbr.rel $0x88, $3  }
0x1: {  	(tag) =	ssettag $0x0;
	lr =	simm.s32 $0x1  }
0x2: {  	[smem:$0x3FA0] =	sst lr;
	_ =	strace $0xD0000000  }
0x3: {  	_ = 	snop  }
0x4: {  	_ = 	snop  }
0x5: {  	_ = 	snop  }
0x6: {  	_ = 	snop  }
0x7: {  	_ = 	snop  }
__scs_overlays_trampoline_lowered:
0x8: {  	[smem:$0x3FAF] =	sst s0  }
0x9: {  	[smem:$0x3FB0] =	sst s1  }
0xa: {  	[smem:$0x3FB1] =	sst s2  }
0xb: {  	[smem:$0x3FB2] =	sst s3  }
0xc: {  	[smem:$0x3FB3] =	sst s4  }
0xd: {  	[smem:$0x3FB4] =	sst s5  }
0xe: {  	[smem:$0x3FB5] =	sst s6  }
0xf: {  	[smem:$0x3FB6] =	sst s7  }
0x10: {  	[smem:$0x3FB7] =	sst s8  }
0x11: {  	[smem:$0x3FB8] =	sst s9;
	s0 =	simm.s32 @!p0 $0x0  }
0x12: {  	s1 =	sld [smem:$0x3F9E];
	s0 =	simm.s32 @p0 $0x1  }
0x13: {  	[smem:$0x3FB9] =	sst s0;
	s0 =	simm.s32 @!p1 $0x0  }
0x14: {  	s2 =	sld [smem:$0x3F9D];
	s0 =	simm.s32 @p1 $0x1  }
0x15: {  	[smem:$0x3FBA] =	sst s0;
	s0 =	simm.s32 @!p2 $0x0  }
0x16: {  	s3 =	sld [smem:$0x3FDB];
	s0 =	simm.s32 @p2 $0x1  }
0x17: {  	s4 =	simm.s32 $0x1BF5;
	[smem:$0x3FBC] =	sst s0  }
0x18: {  	s0 =	sld [smem:$0x3F9F];
	_ =	swait.ge [sflag:s4], $0x0  }
0x19: {  	s7 =	sld [smem:$0x3FA0]  }
0x1a: {  	s8 =	sadd.s32 $0xFFFFE003, lr  }
0x1b: {  	s9 =	sadd.s32 $0xFFFFFEF7, lr;
	s5 =	simm.s32 $0xFFFFFFFF;
	p2 =	slt.u32 s8, $0xFFFFF086  }
0x1c: {  	p1 =	slt.u32 s9, $0xF7A;
	s5 =	simm.s32 @!p2 $0x0  }
0x1d: {  	s5 =	simm.s32 @p1 $0x1;
	p0 =	seq.s32 s7, s2  }
0x1e: {  	s7 =	smul.u32 @!p0 $0xF7A, s2;
	p2 =	seq.s32 @!p0 s5, $0x0  }
0x1f: {  	s9 =	smul.u32 $0xF7A, s1;
	s8 =	simm.s32 @!p0 $0x1BF5;
	p2 =	por !p2, p0  }
0x20: {  	[sflag:s8] =	ssyncset.s32 @!p0 $0xFFFFF086;
	s6 =	sadd.s32 @!p0 s3, s7;
	s7 =	simm.s32 @!p0 $0x108  }
0x21: {  	s3 =	sadd.s32 s3, s9;
	s6 =	sadd.s32 @!p0 $0x88, s6;
	s7 =	simm.s32 @p2 $0x1082  }
0x22: {  	[simem:s7], [sflag:s8] =	dma.local @!p0 [hbm:s6], $0xF7A  }
0x23: {  	s9 =	sor.u32 $0xD0000000, s2;
	s6 =	simm.s32 $0x108;
	_ =	swait.ge @!p0 [sflag:s8], $0x0  }
0x24: {  	s3 =	sadd.s32 $0x88, s3;
	s6 =	simm.s32 @!p1 $0x1082;
	[sflag:s4] =	ssyncset.s32 $0xFFFFF086  }
0x25: {  	[simem:s6], [sflag:s4] =	dma.local [hbm:s3], $0xF7A  }
0x26: {  	[smem:$0x3FA0] =	sst s1;
	(tag) =	ssettag s2;
	_ =	strace s9  }
0x27: {  	s1 =	sld [smem:$0x3FB0]  }
0x28: {  	s2 =	sld [smem:$0x3FB1]  }
0x29: {  	s4 =	sld [smem:$0x3FB3]  }
0x2a: {  	p0 =	seq.s32 s5, $0x0;
	s5 =	sld [smem:$0x3FB4]  }
0x2b: {  	s6 =	sld [smem:$0x3FB5]  }
0x2c: {  	s7 =	sld [smem:$0x3FB6]  }
0x2d: {  	s3 =	simm.s32 $0x108;
	s8 =	sld [smem:$0x3FB7]  }
0x2e: {  	s3 =	simm.s32 @!p0 $0x1082;
	s9 =	sld [smem:$0x3FB8]  }
0x2f: {  	lr =	sadd.s32 s0, s3;
	s0 =	sld [smem:$0x3FAF]  }
0x30: {  	s3 =	sld [smem:$0x3FB2]  }
0x31: {  	[smem:$0x3FBB] =	sst s10  }
0x32: {  	s10 =	sld [smem:$0x3FB9];
	_ =	sdelay $0x3  }
0x33: {  	p0 =	seq.s32 s10, $0x1;
	s10 =	sld [smem:$0x3FBB];
	_ =	sdelay $0x3  }
0x34: {  	[smem:$0x3FBB] =	sst s10  }
0x35: {  	s10 =	sld [smem:$0x3FBA];
	_ =	sdelay $0x3  }
0x36: {  	p1 =	seq.s32 s10, $0x1;
	s10 =	sld [smem:$0x3FBB];
	_ =	sdelay $0x3  }
0x37: {  	[smem:$0x3FBB] =	sst s10  }
0x38: {  	s10 =	sld [smem:$0x3FBC]  }
0x39: {  	_ = 	snop;
	(pc) =	sbr.ind lr, $3  }
0x3a: {  	_ = 	snop  }
0x3b: {  	_ = 	snop  }
0x3c: {  	p2 =	seq.s32 s10, $0x1;
	s10 =	sld [smem:$0x3FBB]  }
0x3d: {  	_ =	shalt  }
0x3e: {  	_ =	shalt  }
0x3f: {  	_ =	shalt  }
0x40: {  	_ =	shalt  }
0x41: {  	_ =	shalt  }
0x42: {  	_ =	shalt  }
0x43: {  	_ =	shalt  }
0x44: {  	_ =	shalt  }
0x45: {  	_ =	shalt  }
0x46: {  	_ =	shalt  }
0x47: {  	_ =	shalt  }
0x48: {  	_ =	shalt  }
0x49: {  	_ =	shalt  }
0x4a: {  	_ =	shalt  }
0x4b: {  	_ =	shalt  }
0x4c: {  	_ =	shalt  }
0x4d: {  	_ =	shalt  }
0x4e: {  	_ =	shalt  }
0x4f: {  	_ =	shalt  }
0x50: {  	_ =	shalt  }
0x51: {  	_ =	shalt  }
0x52: {  	_ =	shalt  }
0x53: {  	_ =	shalt  }
0x54: {  	_ =	shalt  }
0x55: {  	_ =	shalt  }
0x56: {  	_ =	shalt  }
0x57: {  	_ =	shalt  }
0x58: {  	_ =	shalt  }
0x59: {  	_ =	shalt  }
0x5a: {  	_ =	shalt  }
0x5b: {  	_ =	shalt  }
0x5c: {  	_ =	shalt  }
0x5d: {  	_ =	shalt  }
0x5e: {  	_ =	shalt  }
0x5f: {  	_ =	shalt  }
0x60: {  	_ =	shalt  }
0x61: {  	_ =	shalt  }
0x62: {  	_ =	shalt  }
0x63: {  	_ =	shalt  }
0x64: {  	_ =	shalt  }
0x65: {  	_ =	shalt  }
0x66: {  	_ =	shalt  }
0x67: {  	_ =	shalt  }
0x68: {  	_ =	shalt  }
0x69: {  	_ =	shalt  }
0x6a: {  	_ =	shalt  }
0x6b: {  	_ =	shalt  }
0x6c: {  	_ =	shalt  }
0x6d: {  	_ =	shalt  }
0x6e: {  	_ =	shalt  }
0x6f: {  	_ =	shalt  }
0x70: {  	_ =	shalt  }
0x71: {  	_ =	shalt  }
0x72: {  	_ =	shalt  }
0x73: {  	_ =	shalt  }
0x74: {  	_ =	shalt  }
0x75: {  	_ =	shalt  }
0x76: {  	_ =	shalt  }
0x77: {  	_ =	shalt  }
0x78: {  	_ =	shalt  }
0x79: {  	_ =	shalt  }
0x7a: {  	_ =	shalt  }
0x7b: {  	_ =	shalt  }
0x7c: {  	_ =	shalt  }
0x7d: {  	_ =	shalt  }
0x7e: {  	_ =	shalt  }
0x7f: {  	_ =	shalt  }
0x80: {  	_ =	shalt  }
0x81: {  	_ =	shalt  }
0x82: {  	_ =	shalt  }
0x83: {  	_ =	shalt  }
0x84: {  	_ =	shalt  }
0x85: {  	_ =	shalt  }
0x86: {  	_ =	shalt  }
0x87: {  	_ =	shalt  }
.Lfunc_end0:
.L_simem_size_0:
called_computation.1_lowered:
.L_overlay_start_0:
0x88: {  	s2 =	sld [smem:$0x3FD9]  }
0x89: {  	s3 =	sld [smem:$0x3FFE];
	_ =	sdelay $0x1  }
0x8a: {  	s1 =	srdreg.scid  }
0x8b: {  	s0 =	sand.u32 $0x1, s1  }
0x8c: {  	s17 =	sshll.u32 s0, $0xA;
	s2 =	sadd.s32 s3, s2  }
0x8d: {  	s2 =	sadd.s32 s2, s17  }
0x8e: {  	[smem:$0x3FC7] =	sst s2  }
0x8f: {  	_ = 	snop  }
0x90: {  	s2 =	sld [smem:$0x3FC9];
	(tm) =	ssettm $0x1  }
0x91: {  	s18 =	sld [smem:$0x3FFB];
	_ =	sdelay $0x3  }
0x92: {  	_ =	strace s18  }
0x93: {  	s3 =	sld [smem:$0x3FFC];
	_ =	sdelay $0x3  }
0x94: {  	_ =	strace s3  }
0x95: {  	s3 =	sld [smem:$0x3FFD];
	_ =	sdelay $0x3  }
0x96: {  	_ =	strace s3  }
0x97: {  	_ =	strace $0x8FFFFFFF  }
0x98: {  	s19 =	sld [smem:$0x3FDB];
	_ =	sdelay $0x1  }
0x99: {  	s4 =	simm.s32 $_scs_section_size  }
0x9a: {  	s5 =	simm.s32 $_size__tile_overlayer_lowered;
	s6 =	simm.s32 $_tile_overlayer_lowered  }
0x9b: {  	s22 =	simm.s32 $0x1BFF;
	s21 =	sshll.u32 s6, $0x1;
	s3 =	sadd.s32 s4, s19  }
0x9c: {  	s7 =	simm.s32 $0x0;
	s20 =	sshll.u32 s5, $0x1;
	s5 =	sadd.s32 s21, s3  }
0x9d: {  	[timem:s7], [sflag:s22] =	dma.local [hbm:s5], s20  }
0x9e: {  	_ =	swait.ge [sflag:s22], s20  }
0x9f: {  	s4 =	ssub.s32 $0x0, s20;
	[sflag:s22] =	ssyncset.done $0x0  }
0xa0: {  	[sflag:s22] =	ssyncadd.s32 s4;
	_ =	sdelay $0x1  }
0xa1: {  	s23 =	simm.s32 $0x1B8B  }
0xa2: {  	_ =	swait.ge [sflag:s23], $0x1  }
0xa3: {  	[sflag:s23] =	ssyncset.done $0x0  }
0xa4: {  	s25 =	simm.s32 $0x1B8E;
	s24 =	sld [smem:$0x3FFE];
	[sflag:s23] =	ssyncadd.s32 $0xFFFFFFFF  }
0xa5: {  	s26 =	simm.s32 $execute0_lowered;
	[smem:$0x3FD2] =	sst s25  }
0xa6: {  	s5 =	sshll.u32 s26, $0x1;
	_ =	strace $0x80000049;
	[dreg:$0x1] =	wrdreg $0xFFFFFFFF  }
0xa7: {  	s28 =	simm.s32 $_size_execute0_lowered;
	s3 =	sadd.s32 s3, s5;
	[dreg:$0x0] =	wrdreg $0x0  }
0xa8: {  	s5 =	sshll.u32 s28, $0x1;
	[dreg:$0x2] =	wrdreg s3  }
0xa9: {  	[dreg:$0x3] =	wrdreg s5  }
0xaa: {  	[dreg:$0x4] =	wrdreg $0xC0  }
0xab: {  	_ =	task [dreg:s7], $0x5FFFF  }
0xac: {  	[dreg:$0x1] =	wrdreg $0xFFFFFFFF  }
0xad: {  	[dreg:$0x0] =	wrdreg $0x60  }
0xae: {  	[dreg:$0x2] =	wrdreg s2  }
0xaf: {  	[dreg:$0x3] =	wrdreg s24  }
0xb0: {  	[dreg:$0x4] =	wrdreg $0x9  }
0xb1: {  	_ =	task.clear_ibuf [dreg:s7], $0x5FFFF;
	_ =	strace $0x90000049  }
0xb2: {  	s29 =	simm.s32 $0x9;
	_ =	strace $0x8000004B  }
0xb3: {  	_ =	swait.ge [sflag:s29], $0x1  }
0xb4: {  	[sflag:s29] =	ssyncadd.s32 $0xFFFFFFFF  }
0xb5: {  	_ =	strace $0x9000004B  }
0xb6: {  	_ =	sfence  }
0xb7: {  	s30 =	sld [smem:$0x0];
	_ =	sdelay $0x2  }
0xb8: {  	s31 =	sshll.u32 s1, $0xD;
	s1 =	sshrl.u32 s1, $0x2  }
0xb9: {  	s3 =	sand.u32 $0x4000, s31;
	s1 =	sadd.s32 s1, s30  }
0xba: {  	s0 =	sor.u32 s3, s0;
	s1 =	sshll.u32 s1, $0x11  }
0xbb: {  	s0 =	sor.u32 s1, s0  }
0xbc: {  	s0 =	sadd.s32 $0x8F2B, s0  }
0xbd: {  	[sflag:s0] =	ssyncadd.remote.s32 $0x1  }
0xbe: {  	_ =	sfence.sel $0xFFFF  }
0xbf: {  	[dreg:$0x0] =	wrdreg $0xFFFFFFFF;
	(pc) =	sbr.abs _section_cstart, $3  }
0xc0: {  	[dreg:$0x1] =	wrdreg $0xFFFFFFFF  }
0xc1: {  	_ =	task.clear_ibuf [dreg:s7], $0x2FFFF;
	_ =	strace $0x9FFFFFFF  }
0xc2: {  	(tm) =	ssettm $0x7FFFFFFF  }
0xc3: {  	_ =	shalt  }
tec
execute0_lowered:
.L_overlay_start_1:
0x0: {  	(tag) =	ssettag $0x1  }
0x1: {  	s1 =	rddreg [dreg:$0x0]  }
0x2: {  	s6 =	rddreg [dreg:$0x1]  }
0x3: {  	s0 =	rddreg [dreg:$0x2];
	s3 =	simm.s32 $0x0;
	s4 =	srdreg.scid  }
0x4: {  	s2 =	stileid.u32;
	s13 =	simm.s32 $0x18000;
	s14 =	simm.s32 $0x8000  }
0x5: {  	s15 =	simm.s32 $0x10000;
	s16 =	simm.s32 $0x1;
	s17 =	simm.s32 $0x2  }
0x6: {  	s18 =	simm.s32 $0x18080;
	s19 =	simm.s32 $0x0;
	[smem:$0x7FF] =	sst s3  }
0x7: {  	s7 =	sand.u32 $0x1, s4;
	s29 =	sshll.u32 s2, $0x1;
	s4 =	sadd.s32 $0x2600, s6  }
0x8: {  	s5 =	sadd.s32 $0x1600, s6;
	_ =	strace $0x8000004A;
	s8 =	sor.u32 s7, s29  }
0x9: {  	s7 =	ssub.s32 $0x2, s7;
	s9 =	sshll.u32 s8, $0xC;
	s30 =	sshll.u32 s8, $0x4  }
0xa: {  	s31 =	sshrl.u32 s7, $0x1;
	s11 =	sshll.u32 s8, $0x10;
	s10 =	sadd.s32 s9, s6  }
0xb: {  	s9 =	sadd.s32 s30, s6;
	s12 =	ssub.s32 s7, s31;
	s6 =	sshll.u32 s8, $0x13  }
0xc: {  	s7 =	sadd.s32 s1, s11;
	s8 =	sor.u32 $0x10000, s6;
	s9 =	sadd.s32 $0x22800, s9  }
0xd: {  	v0 =	vimm.s32 $0x1;
	s10 =	sadd.s32 $0x2800, s10;
	s11 =	smax.u32 s12, $0x1;
	s12 =	simm.s32 $0x3  }
.LBB2_1:
0xe: {  	[tilespmem:s3], [sflag:$0x3] =	stream.linear.gather [hbm4b:s5+s3], $0x8000, $0x38;
	[tilespmem:$0x18100] =	vst v63  }
0xf: {  	_ =	swait.ge [sflag:s12], $0x8000  }
0x10: {  	[sflag:s12] =	ssyncset.done $0x0  }
0x11: {  	[sflag:s12] =	ssyncadd.s32 $0xFFFF8000  }
0x12: {  	[tilespmem:s13], [sflag:$0x3] =	stream.linear.gather [hbm4b:s4+s3], $0x80, $0x38;
	[tilespmem:$0x18100] =	vst v63  }
0x13: {  	_ =	swait.ge [sflag:s12], $0x80  }
0x14: {  	[sflag:s12] =	ssyncset.done $0x0  }
0x15: {  	[sflag:s12] =	ssyncadd.s32 $0xFFFFFF80  }
0x16: {  	v1 =	vld [tilespmem:$0x18000]  }
0x17: {  	s20 =	simm.s32 $0x0  }
0x18: {  	v5 =	vimm.f32 $0.0e+00;
	[tilespmem:s14], [sflag:$0x1] =	stream.linear.gather [hbm4b:s7+s3], $0x8000, $0x38;
	[tilespmem:$0x18100] =	vst v63  }
.LBB2_2:
0x19: {  	s21 =	sshll.u32 s20, $0x10  }
0x1a: {  	s22 =	sor.u32 s21, s6  }
0x1b: {  	s22 =	sshrl.u32 s22, $0x3  }
0x1c: {  	s22 =	sadd.s32 s22, s1  }
0x1d: {  	s22 =	sadd.s32 $0x1000, s22  }
0x1e: {  	[tilespmem:s15], [sflag:$0x2] =	stream.linear.gather [hbm4b:s22+s3], $0x8000, $0x38;
	[tilespmem:$0x18100] =	vst v63  }
0x1f: {  	_ =	swait.ge [sflag:s16], $0x8000  }
0x20: {  	[sflag:s16] =	ssyncset.done $0x0  }
0x21: {  	s31 =	simm.s32 $0x8040;
	[sflag:s16] =	ssyncadd.s32 $0xFFFF8000  }
0x22: {  	v12 =	vld [tilespmem:s31+$0x10]  }
0x23: {  	v14 =	vld [tilespmem:s31+$0x20]  }
0x24: {  	v2 =	vld [tilespmem:s31+$0x30]  }
0x25: {  	v4 =	vld [tilespmem:s31+$0xFFFFFFC0]  }
0x26: {  	v10 =	vld [tilespmem:s31+$0x0]  }
0x27: {  	v6 =	vld [tilespmem:s31+$0xFFFFFFD0]  }
0x28: {  	v8 =	vld [tilespmem:s31+$0xFFFFFFF0]  }
0x29: {  	v11 =	vld [tilespmem:s31+$0xFFFFFFE0]  }
0x2a: {  	v3 =	vshra.s32 v4, $0x1F;
	v13 =	vshra.s32 v12, $0x1F  }
0x2b: {  	v15 =	vshra.s32 v14, $0x1F;
	v17 =	vshra.s32 v2, $0x1F;
	v3 =	vor.u32 $0x80000000, v3  }
0x2c: {  	v7 =	vshra.s32 v6, $0x1F;
	v16 =	vshra.s32 v10, $0x1F;
	v18 =	vxor.u32 v4, v3  }
0x2d: {  	v9 =	vshra.s32 v8, $0x1F;
	v7 =	vor.u32 $0x80000000, v7;
	v3 =	vshrl.u32 v18, $0x11  }
0x2e: {  	v19 =	vxor.u32 v6, v7;
	v7 =	vshra.s32 v11, $0x1F;
	vm0 =	vlt.s32 v3, v1  }
0x2f: {  	v7 =	vor.u32 $0x80000000, v7;
	v20 =	vnsel vm0, $0x0, v4;
	v4 =	vshrl.u32 v19, $0x11  }
0x30: {  	v7 =	vxor.u32 v11, v7;
	v20 =	vadd.f32 v20, v5;
	vm0 =	vlt.s32 v4, v1  }
0x31: {  	v9 =	vor.u32 $0x80000000, v9;
	v5 =	vshrl.u32 v7, $0x11;
	v6 =	vnsel vm0, $0x0, v6  }
0x32: {  	v9 =	vxor.u32 v8, v9;
	vm0 =	vlt.s32 v5, v1;
	v20 =	vadd.f32 v6, v20  }
0x33: {  	v16 =	vor.u32 $0x80000000, v16;
	v11 =	vnsel vm0, $0x0, v11;
	v6 =	vshrl.u32 v9, $0x11  }
0x34: {  	vm0 =	vlt.s32 v6, v1;
	v20 =	vadd.f32 v11, v20;
	v11 =	vxor.u32 v10, v16  }
0x35: {  	v13 =	vor.u32 $0x80000000, v13;
	v16 =	vnsel vm0, $0x0, v8;
	v8 =	vshrl.u32 v11, $0x11  }
0x36: {  	v13 =	vxor.u32 v12, v13;
	v16 =	vadd.f32 v16, v20;
	vm0 =	vlt.s32 v8, v1  }
0x37: {  	v15 =	vor.u32 $0x80000000, v15;
	v20 =	vnsel vm0, $0x0, v10;
	v10 =	vshrl.u32 v13, $0x11  }
0x38: {  	v20 =	vadd.f32 v20, v16;
	vm0 =	vlt.s32 v10, v1;
	v16 =	vxor.u32 v14, v15  }
0x39: {  	v17 =	vor.u32 $0x80000000, v17;
	v15 =	vnsel vm0, $0x0, v12;
	v12 =	vshrl.u32 v16, $0x11  }
0x3a: {  	v17 =	vxor.u32 v2, v17;
	v20 =	vadd.f32 v15, v20;
	vm0 =	vlt.s32 v12, v1  }
0x3b: {  	v18 =	vshrl.u32 v18, $0x2;
	v15 =	vshrl.u32 v17, $0x11;
	v14 =	vnsel vm0, $0x0, v14  }
0x3c: {  	s23 =	simm.s32 $0x80C0;
	s22 =	simm.s32 $0x0;
	v19 =	vshrl.u32 v19, $0x2;
	vm0 =	vlt.s32 v15, v1;
	v14 =	vadd.f32 v14, v20  }
.LBB2_3:
0x3d: {  	v20 =	vld [tilespmem:s23+$0x10];
	v7 =	vshrl.u32 v7, $0x2;
	v9 =	vshrl.u32 v9, $0x2;
	v2 =	vnsel vm0, $0x0, v2  }
0x3e: {  	v11 =	vshrl.u32 v11, $0x2;
	v13 =	vshrl.u32 v13, $0x2;
	v21 =	vld [tilespmem:s23+$0x20];
	v14 =	vadd.f32 v2, v14  }
0x3f: {  	vm6 =	veq.s32 v3, v1;
	v3 =	vshrl.u32 v16, $0x2;
	v16 =	vshrl.u32 v17, $0x2;
	v2 =	vld [tilespmem:s23+$0x30]  }
0x40: {  	s22 =	sadd.s32 $0x8, s22;
	vm7 =	veq.s32 v4, v1;
	vm5 =	veq.s32 v5, v1;
	vm4 =	veq.s32 v6, v1;
	v17 =	vld [tilespmem:s23+$0xFFFFFFC0]  }
0x41: {  	vm3 =	veq.s32 v8, v1;
	vm2 =	veq.s32 v10, v1;
	vm1 =	veq.s32 v12, v1;
	p0 =	slt.u32 s22, $0x7F8;
	v22 =	vld [tilespmem:s23+$0x0]  }
0x42: {  	v4 =	vand.u32 $0x7FFF, v18;
	v6 =	vand.u32 $0x7FFF, v19;
	vm0 =	veq.s32 v15, v1;
	v5 =	vld [tilespmem:s23+$0xFFFFFFD0]  }
0x43: {  	v7 =	vand.u32 $0x7FFF, v7;
	v9 =	vand.u32 $0x7FFF, v9;
	v10 =	vand.u32 $0x7FFF, v11;
	v8 =	vld [tilespmem:s23+$0xFFFFFFF0]  }
0x44: {  	v12 =	vand.u32 $0x7FFF, v13;
	v13 =	vand.u32 $0x7FFF, v3;
	v15 =	vand.u32 $0x7FFF, v16;
	v11 =	vld [tilespmem:s23+$0xFFFFFFE0]  }
0x45: {  	v16 =	vshra.s32 v20, $0x1F;
	v3 =	vshra.s32 v17, $0x1F  }
0x46: {  	v18 =	vshra.s32 v21, $0x1F;
	v19 =	vshra.s32 v2, $0x1F;
	v3 =	vor.u32 $0x80000000, v3  }
0x47: {  	v25 =	vshra.s32 v22, $0x1F;
	v23 =	vxor.u32 v17, v3;
	v24 =	vshra.s32 v5, $0x1F;
	[tilespmem:v4+s3+$0x0] =	vst.idx.add.s32.msk vm6, v0  }
0x48: {  	v3 =	vshrl.u32 v23, $0x11;
	v4 =	vor.u32 $0x80000000, v24;
	v24 =	vshra.s32 v8, $0x1F;
	[tilespmem:v6+s3+$0x0] =	vst.idx.add.s32.msk vm7, v0  }
0x49: {  	vm6 =	vlt.s32 v3, v1;
	v26 =	vxor.u32 v5, v4;
	v6 =	vshra.s32 v11, $0x1F;
	[tilespmem:v7+s3+$0x0] =	vst.idx.add.s32.msk vm5, v0  }
0x4a: {  	v7 =	vnsel vm6, $0x0, v17;
	v4 =	vshrl.u32 v26, $0x11;
	v6 =	vor.u32 $0x80000000, v6;
	[tilespmem:v9+s3+$0x0] =	vst.idx.add.s32.msk vm4, v0  }
0x4b: {  	v9 =	vadd.f32 v7, v14;
	vm4 =	vlt.s32 v4, v1;
	v7 =	vxor.u32 v11, v6  }
0x4c: {  	v14 =	vor.u32 $0x80000000, v24;
	v6 =	vnsel vm4, $0x0, v5;
	v5 =	vshrl.u32 v7, $0x11;
	[tilespmem:v10+s3+$0x0] =	vst.idx.add.s32.msk vm3, v0  }
0x4d: {  	v10 =	vadd.f32 v6, v9;
	vm3 =	vlt.s32 v5, v1;
	v9 =	vxor.u32 v8, v14  }
0x4e: {  	v14 =	vor.u32 $0x80000000, v25;
	v11 =	vnsel vm3, $0x0, v11;
	v6 =	vshrl.u32 v9, $0x11;
	[tilespmem:v12+s3+$0x0] =	vst.idx.add.s32.msk vm2, v0  }
0x4f: {  	v10 =	vadd.f32 v11, v10;
	vm2 =	vlt.s32 v6, v1;
	v11 =	vxor.u32 v22, v14  }
0x50: {  	v14 =	vor.u32 $0x80000000, v16;
	v12 =	vnsel vm2, $0x0, v8;
	v8 =	vshrl.u32 v11, $0x11;
	[tilespmem:v13+s3+$0x0] =	vst.idx.add.s32.msk vm1, v0  }
0x51: {  	v13 =	vxor.u32 v20, v14;
	v12 =	vadd.f32 v12, v10;
	vm1 =	vlt.s32 v8, v1  }
0x52: {  	v16 =	vor.u32 $0x80000000, v18;
	v10 =	vshrl.u32 v13, $0x11;
	v14 =	vnsel vm1, $0x0, v22;
	[tilespmem:v15+s3+$0x0] =	vst.idx.add.s32.msk vm0, v0  }
.Ltmp0:
0x53: {  	v16 =	vxor.u32 v21, v16;
	vm0 =	vlt.s32 v10, v1;
	v14 =	vadd.f32 v14, v12;
	(pc) =	sbr.rel @p0 .LBB2_3-.Ltmp0, $4  }
0x54: {  	v17 =	vor.u32 $0x80000000, v19;
	v15 =	vnsel vm0, $0x0, v20;
	v12 =	vshrl.u32 v16, $0x11  }
0x55: {  	v17 =	vxor.u32 v2, v17;
	vm0 =	vlt.s32 v12, v1;
	v14 =	vadd.f32 v15, v14  }
0x56: {  	v18 =	vshrl.u32 v23, $0x2;
	v20 =	vnsel vm0, $0x0, v21;
	v15 =	vshrl.u32 v17, $0x11  }
0x57: {  	s23 =	sadd.s32 $0x80, s23;
	v19 =	vshrl.u32 v26, $0x2;
	vm0 =	vlt.s32 v15, v1;
	v14 =	vadd.f32 v20, v14  }
0x58: {  	vm1 =	veq.s32 v3, v1  }
0x59: {  	vm2 =	veq.s32 v4, v1;
	v3 =	vand.u32 $0x7FFF, v18  }
0x5a: {  	v4 =	vshrl.u32 v7, $0x2;
	vm3 =	veq.s32 v5, v1;
	v5 =	vand.u32 $0x7FFF, v19  }
0x5b: {  	v7 =	vshrl.u32 v9, $0x2;
	vm4 =	veq.s32 v6, v1;
	v4 =	vand.u32 $0x7FFF, v4  }
0x5c: {  	v6 =	vshrl.u32 v11, $0x2;
	vm5 =	veq.s32 v8, v1;
	v7 =	vand.u32 $0x7FFF, v7  }
0x5d: {  	v8 =	vshrl.u32 v13, $0x2;
	vm6 =	veq.s32 v10, v1;
	v6 =	vand.u32 $0x7FFF, v6  }
0x5e: {  	v9 =	vshrl.u32 v16, $0x2;
	vm7 =	veq.s32 v12, v1;
	v8 =	vand.u32 $0x7FFF, v8;
	[tilespmem:v3+s3+$0x0] =	vst.idx.add.s32.msk vm1, v0  }
0x5f: {  	v9 =	vand.u32 $0x7FFF, v9;
	v3 =	vshrl.u32 v17, $0x2;
	vm1 =	veq.s32 v15, v1;
	[tilespmem:v5+s3+$0x0] =	vst.idx.add.s32.msk vm2, v0  }
0x60: {  	[tilespmem:v4+s3+$0x0] =	vst.idx.add.s32.msk vm3, v0;
	v3 =	vand.u32 $0x7FFF, v3  }
0x61: {  	[tilespmem:v7+s3+$0x0] =	vst.idx.add.s32.msk vm4, v0  }
0x62: {  	p0 =	seq.s32 s20, $0x7;
	[tilespmem:v6+s3+$0x0] =	vst.idx.add.s32.msk vm5, v0  }
0x63: {  	s21 =	sadd.s32 @!p0 s21, s8;
	[tilespmem:v8+s3+$0x0] =	vst.idx.add.s32.msk vm6, v0  }
0x64: {  	s21 =	sshrl.u32 @!p0 s21, $0x3;
	[tilespmem:v9+s3+$0x0] =	vst.idx.add.s32.msk vm7, v0  }
0x65: {  	s22 =	simm.s32 @!p0 $0x0;
	s23 =	simm.s32 @!p0 $0x8000;
	s21 =	sadd.s32 @!p0 s1, s21;
	[tilespmem:v3+s3+$0x0] =	vst.idx.add.s32.msk vm1, v0  }
0x66: {  	[tilespmem:s23], [sflag:$0x1] =	stream.linear.gather @!p0 [hbm4b:s21+s22], $0x8000, $0x38;
	[tilespmem:$0x18100] =	vst v63  }
0x67: {  	_ =	swait.ge [sflag:s17], $0x8000  }
0x68: {  	[sflag:s17] =	ssyncset.done $0x0  }
0x69: {  	s31 =	simm.s32 $0x10040;
	[sflag:s17] =	ssyncadd.s32 $0xFFFF8000  }
0x6a: {  	v12 =	vld [tilespmem:s31+$0x10]  }
0x6b: {  	v17 =	vld [tilespmem:s31+$0x20]  }
0x6c: {  	v3 =	vld [tilespmem:s31+$0x30]  }
0x6d: {  	v4 =	vld [tilespmem:s31+$0xFFFFFFC0]  }
0x6e: {  	v10 =	vld [tilespmem:s31+$0x0]  }
0x6f: {  	v5 =	vld [tilespmem:s31+$0xFFFFFFD0]  }
0x70: {  	v8 =	vld [tilespmem:s31+$0xFFFFFFF0]  }
0x71: {  	v2 =	vnsel vm0, $0x0, v2;
	v6 =	vld [tilespmem:s31+$0xFFFFFFE0]  }
0x72: {  	v7 =	vadd.f32 v2, v14;
	v2 =	vshra.s32 v4, $0x1F;
	v13 =	vshra.s32 v12, $0x1F  }
0x73: {  	v14 =	vshra.s32 v17, $0x1F;
	v16 =	vshra.s32 v3, $0x1F;
	v2 =	vor.u32 $0x80000000, v2  }
0x74: {  	v9 =	vshra.s32 v5, $0x1F;
	v11 =	vshra.s32 v10, $0x1F;
	v18 =	vxor.u32 v4, v2  }
0x75: {  	v15 =	vshra.s32 v8, $0x1F;
	v9 =	vor.u32 $0x80000000, v9;
	v2 =	vshrl.u32 v18, $0x11  }
0x76: {  	v19 =	vxor.u32 v5, v9;
	v9 =	vshra.s32 v6, $0x1F;
	vm0 =	vlt.s32 v2, v1  }
0x77: {  	v9 =	vor.u32 $0x80000000, v9;
	v20 =	vnsel vm0, $0x0, v4;
	v4 =	vshrl.u32 v19, $0x11  }
0x78: {  	v20 =	vadd.f32 v20, v7;
	vm0 =	vlt.s32 v4, v1;
	v7 =	vxor.u32 v6, v9  }
0x79: {  	v15 =	vor.u32 $0x80000000, v15;
	v9 =	vnsel vm0, $0x0, v5;
	v5 =	vshrl.u32 v7, $0x11  }
0x7a: {  	v20 =	vadd.f32 v9, v20;
	vm0 =	vlt.s32 v5, v1;
	v9 =	vxor.u32 v8, v15  }
0x7b: {  	v11 =	vor.u32 $0x80000000, v11;
	v15 =	vnsel vm0, $0x0, v6;
	v6 =	vshrl.u32 v9, $0x11  }
0x7c: {  	v11 =	vxor.u32 v10, v11;
	v15 =	vadd.f32 v15, v20;
	vm0 =	vlt.s32 v6, v1  }
0x7d: {  	v13 =	vor.u32 $0x80000000, v13;
	v20 =	vnsel vm0, $0x0, v8;
	v8 =	vshrl.u32 v11, $0x11  }
0x7e: {  	v13 =	vxor.u32 v12, v13;
	v15 =	vadd.f32 v20, v15;
	vm0 =	vlt.s32 v8, v1  }
0x7f: {  	v14 =	vor.u32 $0x80000000, v14;
	v20 =	vnsel vm0, $0x0, v10;
	v10 =	vshrl.u32 v13, $0x11  }
0x80: {  	v20 =	vadd.f32 v20, v15;
	vm0 =	vlt.s32 v10, v1;
	v15 =	vxor.u32 v17, v14  }
0x81: {  	v16 =	vor.u32 $0x80000000, v16;
	v14 =	vnsel vm0, $0x0, v12;
	v12 =	vshrl.u32 v15, $0x11  }
0x82: {  	v16 =	vxor.u32 v3, v16;
	v20 =	vadd.f32 v14, v20;
	vm0 =	vlt.s32 v12, v1  }
0x83: {  	v18 =	vshrl.u32 v18, $0x2;
	v14 =	vshrl.u32 v16, $0x11;
	v17 =	vnsel vm0, $0x0, v17  }
0x84: {  	s21 =	simm.s32 $0x0;
	s22 =	simm.s32 $0x100C0;
	v19 =	vshrl.u32 v19, $0x2;
	vm0 =	vlt.s32 v14, v1;
	v17 =	vadd.f32 v17, v20  }
.LBB2_5:
0x85: {  	v20 =	vld [tilespmem:s22+$0x10];
	v7 =	vshrl.u32 v7, $0x2;
	v9 =	vshrl.u32 v9, $0x2;
	v3 =	vnsel vm0, $0x0, v3  }
0x86: {  	v11 =	vshrl.u32 v11, $0x2;
	v13 =	vshrl.u32 v13, $0x2;
	v21 =	vld [tilespmem:s22+$0x20];
	v17 =	vadd.f32 v3, v17  }
0x87: {  	vm6 =	veq.s32 v2, v1;
	v2 =	vshrl.u32 v15, $0x2;
	v15 =	vshrl.u32 v16, $0x2;
	v3 =	vld [tilespmem:s22+$0x30]  }
0x88: {  	s21 =	sadd.s32 $0x8, s21;
	vm7 =	veq.s32 v4, v1;
	vm5 =	veq.s32 v5, v1;
	vm4 =	veq.s32 v6, v1;
	v16 =	vld [tilespmem:s22+$0xFFFFFFC0]  }
0x89: {  	vm3 =	veq.s32 v8, v1;
	vm2 =	veq.s32 v10, v1;
	vm1 =	veq.s32 v12, v1;
	p0 =	slt.u32 s21, $0x7F8;
	v22 =	vld [tilespmem:s22+$0x0]  }
0x8a: {  	v4 =	vand.u32 $0x7FFF, v18;
	v6 =	vand.u32 $0x7FFF, v19;
	vm0 =	veq.s32 v14, v1;
	v5 =	vld [tilespmem:s22+$0xFFFFFFD0]  }
0x8b: {  	v7 =	vand.u32 $0x7FFF, v7;
	v9 =	vand.u32 $0x7FFF, v9;
	v10 =	vand.u32 $0x7FFF, v11;
	v8 =	vld [tilespmem:s22+$0xFFFFFFF0]  }
0x8c: {  	v12 =	vand.u32 $0x7FFF, v13;
	v13 =	vand.u32 $0x7FFF, v2;
	v14 =	vand.u32 $0x7FFF, v15;
	v11 =	vld [tilespmem:s22+$0xFFFFFFE0]  }
0x8d: {  	v15 =	vshra.s32 v20, $0x1F;
	v2 =	vshra.s32 v16, $0x1F  }
0x8e: {  	v18 =	vshra.s32 v21, $0x1F;
	v19 =	vshra.s32 v3, $0x1F;
	v2 =	vor.u32 $0x80000000, v2  }
0x8f: {  	v25 =	vshra.s32 v22, $0x1F;
	v23 =	vxor.u32 v16, v2;
	v24 =	vshra.s32 v5, $0x1F;
	[tilespmem:v4+s3+$0x0] =	vst.idx.add.s32.msk vm6, v0  }
0x90: {  	v2 =	vshrl.u32 v23, $0x11;
	v4 =	vor.u32 $0x80000000, v24;
	v24 =	vshra.s32 v8, $0x1F;
	[tilespmem:v6+s3+$0x0] =	vst.idx.add.s32.msk vm7, v0  }
0x91: {  	vm6 =	vlt.s32 v2, v1;
	v26 =	vxor.u32 v5, v4;
	v6 =	vshra.s32 v11, $0x1F;
	[tilespmem:v7+s3+$0x0] =	vst.idx.add.s32.msk vm5, v0  }
0x92: {  	v7 =	vnsel vm6, $0x0, v16;
	v4 =	vshrl.u32 v26, $0x11;
	v6 =	vor.u32 $0x80000000, v6;
	[tilespmem:v9+s3+$0x0] =	vst.idx.add.s32.msk vm4, v0  }
0x93: {  	v9 =	vadd.f32 v7, v17;
	vm4 =	vlt.s32 v4, v1;
	v7 =	vxor.u32 v11, v6  }
0x94: {  	v16 =	vor.u32 $0x80000000, v24;
	v6 =	vnsel vm4, $0x0, v5;
	v5 =	vshrl.u32 v7, $0x11;
	[tilespmem:v10+s3+$0x0] =	vst.idx.add.s32.msk vm3, v0  }
0x95: {  	v10 =	vadd.f32 v6, v9;
	vm3 =	vlt.s32 v5, v1;
	v9 =	vxor.u32 v8, v16  }
0x96: {  	v16 =	vor.u32 $0x80000000, v25;
	v11 =	vnsel vm3, $0x0, v11;
	v6 =	vshrl.u32 v9, $0x11;
	[tilespmem:v12+s3+$0x0] =	vst.idx.add.s32.msk vm2, v0  }
0x97: {  	v10 =	vadd.f32 v11, v10;
	vm2 =	vlt.s32 v6, v1;
	v11 =	vxor.u32 v22, v16  }
0x98: {  	v15 =	vor.u32 $0x80000000, v15;
	v12 =	vnsel vm2, $0x0, v8;
	v8 =	vshrl.u32 v11, $0x11;
	[tilespmem:v13+s3+$0x0] =	vst.idx.add.s32.msk vm1, v0  }
0x99: {  	v13 =	vxor.u32 v20, v15;
	v12 =	vadd.f32 v12, v10;
	vm1 =	vlt.s32 v8, v1  }
0x9a: {  	v16 =	vor.u32 $0x80000000, v18;
	v10 =	vshrl.u32 v13, $0x11;
	v15 =	vnsel vm1, $0x0, v22;
	[tilespmem:v14+s3+$0x0] =	vst.idx.add.s32.msk vm0, v0  }
.Ltmp1:
0x9b: {  	vm0 =	vlt.s32 v10, v1;
	v14 =	vadd.f32 v15, v12;
	v15 =	vxor.u32 v21, v16;
	(pc) =	sbr.rel @p0 .LBB2_5-.Ltmp1, $4  }
0x9c: {  	v17 =	vor.u32 $0x80000000, v19;
	v16 =	vnsel vm0, $0x0, v20;
	v12 =	vshrl.u32 v15, $0x11  }
0x9d: {  	v20 =	vadd.f32 v16, v14;
	vm0 =	vlt.s32 v12, v1;
	v16 =	vxor.u32 v3, v17  }
0x9e: {  	v18 =	vshrl.u32 v23, $0x2;
	v17 =	vnsel vm0, $0x0, v21;
	v14 =	vshrl.u32 v16, $0x11  }
0x9f: {  	s22 =	sadd.s32 $0x80, s22;
	v19 =	vshrl.u32 v26, $0x2;
	v17 =	vadd.f32 v17, v20;
	vm0 =	vlt.s32 v14, v1  }
0xa0: {  	vm1 =	veq.s32 v2, v1  }
0xa1: {  	vm2 =	veq.s32 v4, v1;
	v2 =	vand.u32 $0x7FFF, v18  }
0xa2: {  	v4 =	vshrl.u32 v7, $0x2;
	vm3 =	veq.s32 v5, v1;
	v5 =	vand.u32 $0x7FFF, v19  }
0xa3: {  	v7 =	vshrl.u32 v9, $0x2;
	vm4 =	veq.s32 v6, v1;
	v4 =	vand.u32 $0x7FFF, v4  }
0xa4: {  	v6 =	vshrl.u32 v11, $0x2;
	vm5 =	veq.s32 v8, v1;
	v7 =	vand.u32 $0x7FFF, v7  }
0xa5: {  	v62 =	vshrl.u32 v13, $0x2;
	vm6 =	veq.s32 v10, v1;
	v6 =	vand.u32 $0x7FFF, v6  }
0xa6: {  	v63 =	vshrl.u32 v15, $0x2;
	vm7 =	veq.s32 v12, v1;
	v8 =	vand.u32 $0x7FFF, v62;
	[tilespmem:v2+s3+$0x0] =	vst.idx.add.s32.msk vm1, v0  }
0xa7: {  	vm15 =	veq.s32 v14, v1;
	s20 =	sadd.s32 $0x1, s20;
	v9 =	vand.u32 $0x7FFF, v63;
	v2 =	vshrl.u32 v16, $0x2;
	[tilespmem:v5+s3+$0x0] =	vst.idx.add.s32.msk vm2, v0  }
0xa8: {  	p0 =	sne.s32 s20, $0x8;
	[tilespmem:v4+s3+$0x0] =	vst.idx.add.s32.msk vm3, v0;
	v2 =	vand.u32 $0x7FFF, v2  }
.Ltmp2:
0xa9: {  	[tilespmem:v7+s3+$0x0] =	vst.idx.add.s32.msk vm4, v0;
	(pc) =	sbr.rel @p0 .LBB2_2-.Ltmp2, $4  }
0xaa: {  	[tilespmem:v6+s3+$0x0] =	vst.idx.add.s32.msk vm5, v0  }
0xab: {  	[tilespmem:v8+s3+$0x0] =	vst.idx.add.s32.msk vm6, v0  }
0xac: {  	v3 =	vnsel vm0, $0x0, v3;
	[tilespmem:v9+s3+$0x0] =	vst.idx.add.s32.msk vm7, v0  }
0xad: {  	v5 =	vadd.f32 v3, v17;
	[tilespmem:v2+s3+$0x0] =	vst.idx.add.s32.msk vm15, v0  }
0xae: {  	_ = 	snop  }
0xaf: {  	[tilespmem:$0x18080] =	vst v5  }
0xb0: {  	[hbm4b:s9+s3] =	stream.linear.scatter [tilespmem:s18], [sflag:$0x3], $0x80, $0x38;
	[tilespmem:$0x18100] =	vst v63  }
0xb1: {  	s19 =	sadd.s32 $0x1, s19;
	_ =	swait.ge [sflag:s12], $0x80  }
0xb2: {  	p0 =	sne.s32 s19, s11;
	[sflag:s12] =	ssyncset.done $0x0  }
.Ltmp3:
0xb3: {  	[sflag:s12] =	ssyncadd.s32 $0xFFFFFF80;
	(pc) =	sbr.rel @p0 .LBB2_1-.Ltmp3, $4  }
0xb4: {  	[hbm4b:s10+s3] =	stream.linear.scatter [tilespmem:s3], [sflag:$0x3], $0x8000, $0x38;
	[tilespmem:$0x18100] =	vst v63  }
0xb5: {  	_ =	swait.ge [sflag:s12], $0x8000  }
0xb6: {  	[sflag:s12] =	ssyncset.done $0x0  }
0xb7: {  	[sflag:s12] =	ssyncadd.s32 $0xFFFF8000  }
0xb8: {  	_ =	sfence.sel $0x180000  }
0xb9: {  	[bflag:$0x0] =	sbarrier.arrive $0xFFFF  }
0xba: {  	p0 =	sne.s32 s2, $0x0;
	_ =	strace $0x9000004A  }
0xbb: {  	s0 =	sadd.s32 @!p0 $0x100000, s0;
	[bflag:$0x2] =	sbarrier.arrive $0xFFFF  }
0xbc: {  	[sflag:s0] =	ssyncadd.tile.s32 @!p0 $0x1;
	_ =	shalt  }
.Lfunc_end2:
_tile_overlayer_lowered:
.L_overlay_start_2:
0xbd: {  	(tag) =	ssettag $0x2  }
0xbe: {  	s0 =	rddreg [dreg:$0x0];
	s2 =	stileid.u32  }
0xbf: {  	s1 =	rddreg [dreg:$0x1];
	p0 =	sne.s32 s2, $0x0  }
0xc0: {  	s3 =	rddreg [dreg:$0x2];
	[bflag:$0x3] =	sbarrier.arrive $0xFFFF;
	s2 =	simm.s32 @!p0 $0x1C03  }
0xc1: {  	[timem:s3], [sflag:s2] =	dma.local @!p0 [hbm:s0], s1  }
0xc2: {  	s0 =	simm.s32 @!p0 $0x3  }
0xc3: {  	_ =	swait.ge @!p0 [sflag:s0], s1  }
0xc4: {  	s1 =	ssub.s32 @!p0 $0x0, s1;
	[sflag:s0] =	ssyncset.done @!p0 $0x0  }
0xc5: {  	[sflag:s0] =	ssyncadd.s32 @!p0 s1  }
0xc6: {  	[bflag:$0x3] =	sbarrier.arrive $0xFFFF  }
0xc7: {  	_ =	shalt  }

</sc_bundles>
